<compile_context>
chip_gen: v7x
topology: tpu7x:2x2x1
jax: 0.10.2.dev20260603
libtpu: 0.0.44.dev20260713+nightly
codegen_flags: <defaults>
</compile_context>

<pallas_src>
import functools

import jax
import jax.numpy as jnp
from jax import lax
from jax.experimental import pallas as pl
from jax.experimental.pallas import tpu as pltpu
from jax.experimental.pallas import tpu_sc as plsc

N_MIC = 12
NPAIR = N_MIC * N_MIC
K_LEN = 4096
B_BATCH = 64
NTP = 2048
W = 16
HALF = NPAIR * W

NWORK = 32
BPW = B_BATCH // NWORK


def _gather_windows_sc(x):

    @functools.partial(
        pl.kernel,
        mesh=plsc.VectorSubcoreMesh(core_axis_name="c", subcore_axis_name="s"),
        compiler_params=pltpu.CompilerParams(use_tc_tiling_on_sc=True),
        out_type=jax.ShapeDtypeStruct((B_BATCH, 2 * HALF), jnp.float32),
        scratch_types=[
            pltpu.VMEM((BPW, 2, N_MIC, N_MIC, 128), jnp.float32),
            pltpu.VMEM((BPW * 2 * HALF,), jnp.float32),
            pltpu.SemaphoreType.DMA,
        ],
    )
    def k(x_hbm, out_hbm, stage_v, win_v, sem):
        wid = lax.axis_index("s") * 2 + lax.axis_index("c")
        b0 = wid * BPW
        copies = []
        for bi in range(BPW):
            copies.append(pltpu.async_copy(
                x_hbm.at[:, :, b0 + bi, pl.ds(0, 128)], stage_v.at[bi, 0],
                sem))
            copies.append(pltpu.async_copy(
                x_hbm.at[:, :, b0 + bi, pl.ds(K_LEN - 128, 128)],
                stage_v.at[bi, 1], sem))

        for bi in range(BPW):
            copies[2 * bi].wait()
            copies[2 * bi + 1].wait()

            def body(n, carry):
                row = n * (N_MIC * W)
                for m in range(N_MIC):
                    win_v[pl.ds(bi * 2 * HALF + row + m * W, W)] = (
                        stage_v[bi, 0, n, m, 0:W])
                    win_v[pl.ds(bi * 2 * HALF + HALF + row + m * W, W)] = (
                        stage_v[bi, 1, n, m, 128 - W:128])
                return carry

            lax.fori_loop(0, N_MIC, body, 0)
            pltpu.sync_copy(win_v.at[pl.ds(bi * 2 * HALF, 2 * HALF)],
                            out_hbm.at[b0 + bi])

    return k(x)


def _srp_tc_body(win_ref, t_ref, out_ref, raw_ref):
    win = win_ref[...]
    t = t_ref[...]
    CH = 512
    for c in range(NTP // CH):
        tc = t[:, c * CH:(c + 1) * CH]
        iot = lax.broadcasted_iota(jnp.int32, (NPAIR, W, CH), 1)
        sh = jnp.where(iot == tc[:, None, :], 1.0, 0.0).astype(jnp.float32)
        st = jnp.where(iot == (tc[:, None, :] - (K_LEN - W)), 1.0, 0.0
                       ).astype(jnp.float32)
        s = jnp.concatenate([sh.reshape(HALF, CH), st.reshape(HALF, CH)],
                            axis=0)
        raw_ref[:, c * CH:(c + 1) * CH] = jnp.dot(
            win, s, preferred_element_type=jnp.float32)
    raw = raw_ref[...]
    mean = jnp.mean(raw, axis=-1, keepdims=True)
    m = raw - mean + 1e-12
    out = m / jnp.max(m, axis=-1, keepdims=True)
    out_ref[...] = out.reshape(B_BATCH, NTP // 64, 64)


def kernel(x, tau0):
    xt = jnp.transpose(x, (1, 2, 0, 3))
    win = _gather_windows_sc(xt)
    t32 = tau0.reshape(NPAIR, NTP).astype(jnp.int32)

    return pl.pallas_call(
        _srp_tc_body,
        out_shape=jax.ShapeDtypeStruct((B_BATCH, NTP // 64, 64), jnp.float32),
        scratch_shapes=[pltpu.VMEM((B_BATCH, NTP), jnp.float32)],
    )(win, t32)

# --- scband reference (transcript-rebuilt; emitter-appended) ---
"""Pipeline reference for scband-srp-map-39032662786504 (READ-ONLY COPY).

The authoritative reference and input builder live on the scoring server;
editing this copy changes nothing except your own understanding.
"""

import jax, jax.numpy as jnp
import numpy as np

N = 12
K = 4096
resTheta = 32
resPhi = 64
FS = 16000.0
C = 343.0
B = 64


def _build_tau0():
    ang = 2.0 * np.pi * np.arange(N) / N
    rn = np.stack([0.1 * np.cos(ang), 0.1 * np.sin(ang), np.zeros(N)], axis=1)
    # match the rounded positions used in init_kwargs
    rn = np.round(rn, 4)
    theta = np.linspace(0, np.pi / 2, resTheta)
    phi = np.linspace(-np.pi, np.pi, resPhi + 1)[:-1]
    r = np.stack([
        np.outer(np.sin(theta), np.cos(phi)),
        np.outer(np.sin(theta), np.sin(phi)),
        np.tile(np.cos(theta), [resPhi, 1]).transpose(),
    ], axis=2)
    IMTDF = np.empty((resTheta, resPhi, N, N))
    for k in range(N):
        for l in range(N):
            IMTDF[:, :, k, l] = np.dot(r, rn[l, :] - rn[k, :]) / C
    tau = np.concatenate([np.arange(0, K // 2 + 1), np.arange(-K // 2 + 1, 0)]) / FS
    tau0 = np.empty((resTheta, resPhi, N, N), dtype=np.int64)
    for k in range(N):
        for l in range(N):
            tau0[:, :, k, l] = np.argmin(np.abs(IMTDF[:, :, k, l][..., None] - tau), axis=-1)
    tau0[tau0 > K // 2] -= K
    tau0 = tau0.transpose([2, 3, 0, 1])
    tau0[tau0 < 0] += K  # fold negative lags, as done in forward
    return tau0


def setup_inputs(seed: int = 0) -> dict:
    key = jax.random.key(seed)
    x = jax.random.normal(key, (B, N, N, K), dtype=jnp.float32)
    tau0 = jnp.asarray(_build_tau0(), dtype=jnp.int64)
    return {"x": x, "tau0": tau0}


def reference(x, tau0):
    # sum over all mic pairs of x[..., n, m, tau0[n, m, :, :]]
    idx = tau0.reshape(N, N, resTheta * resPhi)[None, :, :, :]  # [1, N, N, T*P]
    g = jnp.take_along_axis(x, idx, axis=-1)  # [B, N, N, T*P]
    maps = g.sum(axis=(1, 2)).reshape(x.shape[0], resTheta, resPhi)
    # normalize=True branch
    maps = maps - jnp.mean(jnp.mean(maps, axis=-1, keepdims=True), axis=-2, keepdims=True)
    maps = maps + 1e-12
    maps = maps / jnp.max(jnp.max(maps, axis=-1, keepdims=True), axis=-2, keepdims=True)
    return maps

if __name__ == "__main__":
    import jax
    _d = setup_inputs()
    print(jax.jit(kernel)(*tuple(_d.values())))

</pallas_src>

<mosaic_0001>
#map = affine_map<(d0, d1) -> (0, 0, 0, 0)>
#map1 = affine_map<(d0, d1) -> (0, 0)>
module attributes {stable_mosaic.version = 14 : i64} {
  func.func @k(%arg0: i32, %arg1: i32, %arg2: memref<12x12x64x4096xf32, #tpu.memory_space<hbm>>, %arg3: memref<64x4608xf32, #tpu.memory_space<hbm>>, %arg4: memref<2x2x12x12x128xf32, #tpu.memory_space<vmem>>, %arg5: memref<9216xf32, #tpu.memory_space<vmem>>, %arg6: memref<!tpu.dma_semaphore, #tpu.memory_space<semaphore_mem>>) attributes {dimension_semantics = [#tpu.dimension_semantics<core_parallel>, #tpu.dimension_semantics<subcore_parallel>], iteration_bounds = array<i64: 2, 16>, scalar_prefetch = 0 : i64, scratch_operands = 3 : i64, tpu.core_type = #tpu.core_type<sc_vector_subcore>, window_params = [{transform_indices = #map}, {transform_indices = #map1}]} {
    %mul3A = arith.constant 2 : i32
    %mul3A_0 = arith.muli %arg1, %mul3A : i32
    %add3A = arith.addi %mul3A_0, %arg0 : i32
    %mul3A_1 = arith.constant 2 : i32
    %mul3A_2 = arith.muli %add3A, %mul3A_1 : i32
    %add3A_3 = arith.constant 0 : i32
    %add3A_4 = arith.addi %mul3A_2, %add3A_3 : i32
    %dma_start3A = arith.constant 0 : i32
    %dma_start3A_5 = arith.constant 0 : i32
    %dma_start3A_6 = arith.constant 0 : i32
    %dma_start3A_7 = arith.constant 0 : i32
    %dma_start3A_8 = arith.constant 0 : i32
    %dma_start3A_9 = tpu.memref_slice %arg4[%dma_start3A, %dma_start3A_5, %dma_start3A_6, %dma_start3A_7, %dma_start3A_8] : memref<2x2x12x12x128xf32, #tpu.memory_space<vmem>> -> memref<1x1x12x12x128xf32, #tpu.memory_space<vmem>>
    %dma_start3A_10 = tpu.memref_squeeze %dma_start3A_9 : memref<1x1x12x12x128xf32, #tpu.memory_space<vmem>> -> memref<12x12x128xf32, #tpu.memory_space<vmem>>
    %dma_start3A_11 = arith.constant 0 : i32
    %dma_start3A_12 = arith.constant 0 : i32
    %dma_start3A_13 = arith.constant 0 : i32
    %dma_start3A_14 = tpu.memref_slice %arg2[%dma_start3A_11, %dma_start3A_12, %add3A_4, %dma_start3A_13] : memref<12x12x64x4096xf32, #tpu.memory_space<hbm>> -> memref<12x12x1x128xf32, #tpu.memory_space<hbm>>
    %dma_start3A_15 = tpu.memref_squeeze %dma_start3A_14 : memref<12x12x1x128xf32, #tpu.memory_space<hbm>> -> memref<12x12x128xf32, #tpu.memory_space<hbm>>
    %dma_start3A_16 = arith.constant 0 : i32
    %dma_start3A_17 = arith.constant 0 : i32
    %dma_start3A_18 = arith.constant 0 : i32
    %dma_start3A_19 = tpu.memref_slice %arg4[%dma_start3A, %dma_start3A_5, %dma_start3A_16, %dma_start3A_17, %dma_start3A_18] : memref<2x2x12x12x128xf32, #tpu.memory_space<vmem>> -> memref<1x1x12x12x128xf32, #tpu.memory_space<vmem>>
    %dma_start3A_20 = tpu.memref_squeeze %dma_start3A_19 : memref<1x1x12x12x128xf32, #tpu.memory_space<vmem>> -> memref<12x12x128xf32, #tpu.memory_space<vmem>>
    %dma_start3A_21 = arith.constant 0 : i32
    %dma_start3A_22 = arith.constant 0 : i32
    %dma_start3A_23 = arith.constant 0 : i32
    %dma_start3A_24 = tpu.memref_slice %arg2[%dma_start3A_21, %dma_start3A_22, %add3A_4, %dma_start3A_23] : memref<12x12x64x4096xf32, #tpu.memory_space<hbm>> -> memref<12x12x1x128xf32, #tpu.memory_space<hbm>>
    %dma_start3A_25 = tpu.memref_squeeze %dma_start3A_24 : memref<12x12x1x128xf32, #tpu.memory_space<hbm>> -> memref<12x12x128xf32, #tpu.memory_space<hbm>>
    tpu.enqueue_dma source(%dma_start3A_25 : memref<12x12x128xf32, #tpu.memory_space<hbm>>) target(%dma_start3A_20 : memref<12x12x128xf32, #tpu.memory_space<vmem>>) target_semaphore(%arg6 : memref<!tpu.dma_semaphore, #tpu.memory_space<semaphore_mem>>)
    %add3A_26 = arith.constant 0 : i32
    %add3A_27 = arith.addi %mul3A_2, %add3A_26 : i32
    %dma_start3A_28 = arith.constant 0 : i32
    %dma_start3A_29 = arith.constant 1 : i32
    %dma_start3A_30 = arith.constant 0 : i32
    %dma_start3A_31 = arith.constant 0 : i32
    %dma_start3A_32 = arith.constant 0 : i32
    %dma_start3A_33 = tpu.memref_slice %arg4[%dma_start3A_28, %dma_start3A_29, %dma_start3A_30, %dma_start3A_31, %dma_start3A_32] : memref<2x2x12x12x128xf32, #tpu.memory_space<vmem>> -> memref<1x1x12x12x128xf32, #tpu.memory_space<vmem>>
    %dma_start3A_34 = tpu.memref_squeeze %dma_start3A_33 : memref<1x1x12x12x128xf32, #tpu.memory_space<vmem>> -> memref<12x12x128xf32, #tpu.memory_space<vmem>>
    %dma_start3A_35 = arith.constant 0 : i32
    %dma_start3A_36 = arith.constant 0 : i32
    %dma_start3A_37 = arith.constant 3968 : i32
    %dma_start3A_38 = tpu.memref_slice %arg2[%dma_start3A_35, %dma_start3A_36, %add3A_27, %dma_start3A_37] : memref<12x12x64x4096xf32, #tpu.memory_space<hbm>> -> memref<12x12x1x128xf32, #tpu.memory_space<hbm>>
    %dma_start3A_39 = tpu.memref_squeeze %dma_start3A_38 : memref<12x12x1x128xf32, #tpu.memory_space<hbm>> -> memref<12x12x128xf32, #tpu.memory_space<hbm>>
    %dma_start3A_40 = arith.constant 0 : i32
    %dma_start3A_41 = arith.constant 0 : i32
    %dma_start3A_42 = arith.constant 0 : i32
    %dma_start3A_43 = tpu.memref_slice %arg4[%dma_start3A_28, %dma_start3A_29, %dma_start3A_40, %dma_start3A_41, %dma_start3A_42] : memref<2x2x12x12x128xf32, #tpu.memory_space<vmem>> -> memref<1x1x12x12x128xf32, #tpu.memory_space<vmem>>
    %dma_start3A_44 = tpu.memref_squeeze %dma_start3A_43 : memref<1x1x12x12x128xf32, #tpu.memory_space<vmem>> -> memref<12x12x128xf32, #tpu.memory_space<vmem>>
    %dma_start3A_45 = arith.constant 0 : i32
    %dma_start3A_46 = arith.constant 0 : i32
    %dma_start3A_47 = arith.constant 3968 : i32
    %dma_start3A_48 = tpu.memref_slice %arg2[%dma_start3A_45, %dma_start3A_46, %add3A_27, %dma_start3A_47] : memref<12x12x64x4096xf32, #tpu.memory_space<hbm>> -> memref<12x12x1x128xf32, #tpu.memory_space<hbm>>
    %dma_start3A_49 = tpu.memref_squeeze %dma_start3A_48 : memref<12x12x1x128xf32, #tpu.memory_space<hbm>> -> memref<12x12x128xf32, #tpu.memory_space<hbm>>
    tpu.enqueue_dma source(%dma_start3A_49 : memref<12x12x128xf32, #tpu.memory_space<hbm>>) target(%dma_start3A_44 : memref<12x12x128xf32, #tpu.memory_space<vmem>>) target_semaphore(%arg6 : memref<!tpu.dma_semaphore, #tpu.memory_space<semaphore_mem>>)
    %add3A_50 = arith.constant 1 : i32
    %add3A_51 = arith.addi %mul3A_2, %add3A_50 : i32
    %dma_start3A_52 = arith.constant 1 : i32
    %dma_start3A_53 = arith.constant 0 : i32
    %dma_start3A_54 = arith.constant 0 : i32
    %dma_start3A_55 = arith.constant 0 : i32
    %dma_start3A_56 = arith.constant 0 : i32
    %dma_start3A_57 = tpu.memref_slice %arg4[%dma_start3A_52, %dma_start3A_53, %dma_start3A_54, %dma_start3A_55, %dma_start3A_56] : memref<2x2x12x12x128xf32, #tpu.memory_space<vmem>> -> memref<1x1x12x12x128xf32, #tpu.memory_space<vmem>>
    %dma_start3A_58 = tpu.memref_squeeze %dma_start3A_57 : memref<1x1x12x12x128xf32, #tpu.memory_space<vmem>> -> memref<12x12x128xf32, #tpu.memory_space<vmem>>
    %dma_start3A_59 = arith.constant 0 : i32
    %dma_start3A_60 = arith.constant 0 : i32
    %dma_start3A_61 = arith.constant 0 : i32
    %dma_start3A_62 = tpu.memref_slice %arg2[%dma_start3A_59, %dma_start3A_60, %add3A_51, %dma_start3A_61] : memref<12x12x64x4096xf32, #tpu.memory_space<hbm>> -> memref<12x12x1x128xf32, #tpu.memory_space<hbm>>
    %dma_start3A_63 = tpu.memref_squeeze %dma_start3A_62 : memref<12x12x1x128xf32, #tpu.memory_space<hbm>> -> memref<12x12x128xf32, #tpu.memory_space<hbm>>
    %dma_start3A_64 = arith.constant 0 : i32
    %dma_start3A_65 = arith.constant 0 : i32
    %dma_start3A_66 = arith.constant 0 : i32
    %dma_start3A_67 = tpu.memref_slice %arg4[%dma_start3A_52, %dma_start3A_53, %dma_start3A_64, %dma_start3A_65, %dma_start3A_66] : memref<2x2x12x12x128xf32, #tpu.memory_space<vmem>> -> memref<1x1x12x12x128xf32, #tpu.memory_space<vmem>>
    %dma_start3A_68 = tpu.memref_squeeze %dma_start3A_67 : memref<1x1x12x12x128xf32, #tpu.memory_space<vmem>> -> memref<12x12x128xf32, #tpu.memory_space<vmem>>
    %dma_start3A_69 = arith.constant 0 : i32
    %dma_start3A_70 = arith.constant 0 : i32
    %dma_start3A_71 = arith.constant 0 : i32
    %dma_start3A_72 = tpu.memref_slice %arg2[%dma_start3A_69, %dma_start3A_70, %add3A_51, %dma_start3A_71] : memref<12x12x64x4096xf32, #tpu.memory_space<hbm>> -> memref<12x12x1x128xf32, #tpu.memory_space<hbm>>
    %dma_start3A_73 = tpu.memref_squeeze %dma_start3A_72 : memref<12x12x1x128xf32, #tpu.memory_space<hbm>> -> memref<12x12x128xf32, #tpu.memory_space<hbm>>
    tpu.enqueue_dma source(%dma_start3A_73 : memref<12x12x128xf32, #tpu.memory_space<hbm>>) target(%dma_start3A_68 : memref<12x12x128xf32, #tpu.memory_space<vmem>>) target_semaphore(%arg6 : memref<!tpu.dma_semaphore, #tpu.memory_space<semaphore_mem>>)
    %add3A_74 = arith.constant 1 : i32
    %add3A_75 = arith.addi %mul3A_2, %add3A_74 : i32
    %dma_start3A_76 = arith.constant 1 : i32
    %dma_start3A_77 = arith.constant 1 : i32
    %dma_start3A_78 = arith.constant 0 : i32
    %dma_start3A_79 = arith.constant 0 : i32
    %dma_start3A_80 = arith.constant 0 : i32
    %dma_start3A_81 = tpu.memref_slice %arg4[%dma_start3A_76, %dma_start3A_77, %dma_start3A_78, %dma_start3A_79, %dma_start3A_80] : memref<2x2x12x12x128xf32, #tpu.memory_space<vmem>> -> memref<1x1x12x12x128xf32, #tpu.memory_space<vmem>>
    %dma_start3A_82 = tpu.memref_squeeze %dma_start3A_81 : memref<1x1x12x12x128xf32, #tpu.memory_space<vmem>> -> memref<12x12x128xf32, #tpu.memory_space<vmem>>
    %dma_start3A_83 = arith.constant 0 : i32
    %dma_start3A_84 = arith.constant 0 : i32
    %dma_start3A_85 = arith.constant 3968 : i32
    %dma_start3A_86 = tpu.memref_slice %arg2[%dma_start3A_83, %dma_start3A_84, %add3A_75, %dma_start3A_85] : memref<12x12x64x4096xf32, #tpu.memory_space<hbm>> -> memref<12x12x1x128xf32, #tpu.memory_space<hbm>>
    %dma_start3A_87 = tpu.memref_squeeze %dma_start3A_86 : memref<12x12x1x128xf32, #tpu.memory_space<hbm>> -> memref<12x12x128xf32, #tpu.memory_space<hbm>>
    %dma_start3A_88 = arith.constant 0 : i32
    %dma_start3A_89 = arith.constant 0 : i32
    %dma_start3A_90 = arith.constant 0 : i32
    %dma_start3A_91 = tpu.memref_slice %arg4[%dma_start3A_76, %dma_start3A_77, %dma_start3A_88, %dma_start3A_89, %dma_start3A_90] : memref<2x2x12x12x128xf32, #tpu.memory_space<vmem>> -> memref<1x1x12x12x128xf32, #tpu.memory_space<vmem>>
    %dma_start3A_92 = tpu.memref_squeeze %dma_start3A_91 : memref<1x1x12x12x128xf32, #tpu.memory_space<vmem>> -> memref<12x12x128xf32, #tpu.memory_space<vmem>>
    %dma_start3A_93 = arith.constant 0 : i32
    %dma_start3A_94 = arith.constant 0 : i32
    %dma_start3A_95 = arith.constant 3968 : i32
    %dma_start3A_96 = tpu.memref_slice %arg2[%dma_start3A_93, %dma_start3A_94, %add3A_75, %dma_start3A_95] : memref<12x12x64x4096xf32, #tpu.memory_space<hbm>> -> memref<12x12x1x128xf32, #tpu.memory_space<hbm>>
    %dma_start3A_97 = tpu.memref_squeeze %dma_start3A_96 : memref<12x12x1x128xf32, #tpu.memory_space<hbm>> -> memref<12x12x128xf32, #tpu.memory_space<hbm>>
    tpu.enqueue_dma source(%dma_start3A_97 : memref<12x12x128xf32, #tpu.memory_space<hbm>>) target(%dma_start3A_92 : memref<12x12x128xf32, #tpu.memory_space<vmem>>) target_semaphore(%arg6 : memref<!tpu.dma_semaphore, #tpu.memory_space<semaphore_mem>>)
    %dma_wait3A = arith.constant 0 : i32
    %dma_wait3A_98 = arith.constant 0 : i32
    %dma_wait3A_99 = arith.constant 0 : i32
    %dma_wait3A_100 = arith.constant 0 : i32
    %dma_wait3A_101 = arith.constant 0 : i32
    %dma_wait3A_102 = tpu.memref_slice %arg4[%dma_wait3A, %dma_wait3A_98, %dma_wait3A_99, %dma_wait3A_100, %dma_wait3A_101] : memref<2x2x12x12x128xf32, #tpu.memory_space<vmem>> -> memref<1x1x12x12x128xf32, #tpu.memory_space<vmem>>
    %dma_wait3A_103 = tpu.memref_squeeze %dma_wait3A_102 : memref<1x1x12x12x128xf32, #tpu.memory_space<vmem>> -> memref<12x12x128xf32, #tpu.memory_space<vmem>>
    %dma_wait3A_104 = arith.constant 0 : i32
    %dma_wait3A_105 = arith.constant 0 : i32
    %dma_wait3A_106 = arith.constant 0 : i32
    %dma_wait3A_107 = tpu.memref_slice %arg2[%dma_wait3A_104, %dma_wait3A_105, %add3A_4, %dma_wait3A_106] : memref<12x12x64x4096xf32, #tpu.memory_space<hbm>> -> memref<12x12x1x128xf32, #tpu.memory_space<hbm>>
    %dma_wait3A_108 = tpu.memref_squeeze %dma_wait3A_107 : memref<12x12x1x128xf32, #tpu.memory_space<hbm>> -> memref<12x12x128xf32, #tpu.memory_space<hbm>>
    %dma_wait3A_109 = arith.constant 0 : i32
    %dma_wait3A_110 = arith.constant 0 : i32
    %dma_wait3A_111 = arith.constant 0 : i32
    %dma_wait3A_112 = tpu.memref_slice %arg4[%dma_wait3A, %dma_wait3A_98, %dma_wait3A_109, %dma_wait3A_110, %dma_wait3A_111] : memref<2x2x12x12x128xf32, #tpu.memory_space<vmem>> -> memref<1x1x12x12x128xf32, #tpu.memory_space<vmem>>
    %dma_wait3A_113 = tpu.memref_squeeze %dma_wait3A_112 : memref<1x1x12x12x128xf32, #tpu.memory_space<vmem>> -> memref<12x12x128xf32, #tpu.memory_space<vmem>>
    %dma_wait3A_114 = arith.constant 0 : i32
    %dma_wait3A_115 = arith.constant 0 : i32
    %dma_wait3A_116 = arith.constant 0 : i32
    %dma_wait3A_117 = tpu.memref_slice %arg2[%dma_wait3A_114, %dma_wait3A_115, %add3A_4, %dma_wait3A_116] : memref<12x12x64x4096xf32, #tpu.memory_space<hbm>> -> memref<12x12x1x128xf32, #tpu.memory_space<hbm>>
    %dma_wait3A_118 = tpu.memref_squeeze %dma_wait3A_117 : memref<12x12x1x128xf32, #tpu.memory_space<hbm>> -> memref<12x12x128xf32, #tpu.memory_space<hbm>>
    tpu.wait_dma2 semaphore(%arg6 : memref<!tpu.dma_semaphore, #tpu.memory_space<semaphore_mem>>) src(%dma_wait3A_118 : memref<12x12x128xf32, #tpu.memory_space<hbm>>) dst(%dma_wait3A_113 : memref<12x12x128xf32, #tpu.memory_space<vmem>>)
    %dma_wait3A_119 = arith.constant 0 : i32
    %dma_wait3A_120 = arith.constant 1 : i32
    %dma_wait3A_121 = arith.constant 0 : i32
    %dma_wait3A_122 = arith.constant 0 : i32
    %dma_wait3A_123 = arith.constant 0 : i32
    %dma_wait3A_124 = tpu.memref_slice %arg4[%dma_wait3A_119, %dma_wait3A_120, %dma_wait3A_121, %dma_wait3A_122, %dma_wait3A_123] : memref<2x2x12x12x128xf32, #tpu.memory_space<vmem>> -> memref<1x1x12x12x128xf32, #tpu.memory_space<vmem>>
    %dma_wait3A_125 = tpu.memref_squeeze %dma_wait3A_124 : memref<1x1x12x12x128xf32, #tpu.memory_space<vmem>> -> memref<12x12x128xf32, #tpu.memory_space<vmem>>
    %dma_wait3A_126 = arith.constant 0 : i32
    %dma_wait3A_127 = arith.constant 0 : i32
    %dma_wait3A_128 = arith.constant 3968 : i32
    %dma_wait3A_129 = tpu.memref_slice %arg2[%dma_wait3A_126, %dma_wait3A_127, %add3A_27, %dma_wait3A_128] : memref<12x12x64x4096xf32, #tpu.memory_space<hbm>> -> memref<12x12x1x128xf32, #tpu.memory_space<hbm>>
    %dma_wait3A_130 = tpu.memref_squeeze %dma_wait3A_129 : memref<12x12x1x128xf32, #tpu.memory_space<hbm>> -> memref<12x12x128xf32, #tpu.memory_space<hbm>>
    %dma_wait3A_131 = arith.constant 0 : i32
    %dma_wait3A_132 = arith.constant 0 : i32
    %dma_wait3A_133 = arith.constant 0 : i32
    %dma_wait3A_134 = tpu.memref_slice %arg4[%dma_wait3A_119, %dma_wait3A_120, %dma_wait3A_131, %dma_wait3A_132, %dma_wait3A_133] : memref<2x2x12x12x128xf32, #tpu.memory_space<vmem>> -> memref<1x1x12x12x128xf32, #tpu.memory_space<vmem>>
    %dma_wait3A_135 = tpu.memref_squeeze %dma_wait3A_134 : memref<1x1x12x12x128xf32, #tpu.memory_space<vmem>> -> memref<12x12x128xf32, #tpu.memory_space<vmem>>
    %dma_wait3A_136 = arith.constant 0 : i32
    %dma_wait3A_137 = arith.constant 0 : i32
    %dma_wait3A_138 = arith.constant 3968 : i32
    %dma_wait3A_139 = tpu.memref_slice %arg2[%dma_wait3A_136, %dma_wait3A_137, %add3A_27, %dma_wait3A_138] : memref<12x12x64x4096xf32, #tpu.memory_space<hbm>> -> memref<12x12x1x128xf32, #tpu.memory_space<hbm>>
    %dma_wait3A_140 = tpu.memref_squeeze %dma_wait3A_139 : memref<12x12x1x128xf32, #tpu.memory_space<hbm>> -> memref<12x12x128xf32, #tpu.memory_space<hbm>>
    tpu.wait_dma2 semaphore(%arg6 : memref<!tpu.dma_semaphore, #tpu.memory_space<semaphore_mem>>) src(%dma_wait3A_140 : memref<12x12x128xf32, #tpu.memory_space<hbm>>) dst(%dma_wait3A_135 : memref<12x12x128xf32, #tpu.memory_space<vmem>>)
    %scan3A = arith.constant 0 : i32
    %scan3A_141 = arith.constant 0 : i32
    %scan3A_142 = arith.constant 12 : i32
    %scan3A_143 = arith.addi %scan3A_141, %scan3A_142 : i32
    %scan3A_144 = arith.constant 1 : i32
    scf.for %scan3A_200 = %scan3A_141 to %scan3A_143 step %scan3A_144  : i32 {
      %mul3A_201 = arith.constant 192 : i32
      %mul3A_202 = arith.muli %scan3A_200, %mul3A_201 : i32
      %get3A = arith.constant 0 : i32
      %get3A_203 = arith.constant 0 : i32
      %get3A_204 = arith.constant 0 : i32
      %get3A_205 = arith.index_cast %get3A : i32 to index
      %get3A_206 = arith.index_cast %get3A_203 : i32 to index
      %get3A_207 = arith.index_cast %scan3A_200 : i32 to index
      %get3A_208 = arith.index_cast %get3A_204 : i32 to index
      %get3A_209 = arith.constant 0 : index
      %get3A_210 = tpu.vector_load %arg4[%get3A_205, %get3A_206, %get3A_207, %get3A_208, %get3A_209] {strides = array<i32>} : memref<2x2x12x12x128xf32, #tpu.memory_space<vmem>>, vector<1x1x1x1x16xf32>,
      %get3A_211 = vector.shape_cast %get3A_210 : vector<1x1x1x1x16xf32> to vector<16xf32>
      %add3A_212 = arith.constant 0 : i32
      %add3A_213 = arith.addi %add3A_212, %mul3A_202 : i32
      %add3A_214 = arith.constant 0 : i32
      %add3A_215 = arith.addi %add3A_213, %add3A_214 : i32
      %swap3A = arith.index_cast %add3A_215 : i32 to index
      %swap3A_216 = tpu.vector_load %arg5[%swap3A] {strides = array<i32>} : memref<9216xf32, #tpu.memory_space<vmem>>, vector<16xf32>,
      %swap3A_217 = vector.shape_cast %swap3A_216 : vector<16xf32> to vector<16xf32>
      %swap3A_218 = vector.shape_cast %get3A_211 : vector<16xf32> to vector<16xf32>
      tpu.vector_store %arg5[%swap3A], %swap3A_218 {strides = array<i32>} : memref<9216xf32, #tpu.memory_space<vmem>>, vector<16xf32>,
      %get3A_219 = arith.constant 0 : i32
      %get3A_220 = arith.constant 1 : i32
      %get3A_221 = arith.constant 0 : i32
      %get3A_222 = arith.index_cast %get3A_219 : i32 to index
      %get3A_223 = arith.index_cast %get3A_220 : i32 to index
      %get3A_224 = arith.index_cast %scan3A_200 : i32 to index
      %get3A_225 = arith.index_cast %get3A_221 : i32 to index
      %get3A_226 = arith.constant 112 : index
      %get3A_227 = tpu.vector_load %arg4[%get3A_222, %get3A_223, %get3A_224, %get3A_225, %get3A_226] {strides = array<i32>} : memref<2x2x12x12x128xf32, #tpu.memory_space<vmem>>, vector<1x1x1x1x16xf32>,
      %get3A_228 = vector.shape_cast %get3A_227 : vector<1x1x1x1x16xf32> to vector<16xf32>
      %add3A_229 = arith.constant 2304 : i32
      %add3A_230 = arith.addi %add3A_229, %mul3A_202 : i32
      %add3A_231 = arith.constant 0 : i32
      %add3A_232 = arith.addi %add3A_230, %add3A_231 : i32
      %swap3A_233 = arith.index_cast %add3A_232 : i32 to index
      %swap3A_234 = tpu.vector_load %arg5[%swap3A_233] {strides = array<i32>} : memref<9216xf32, #tpu.memory_space<vmem>>, vector<16xf32>,
      %swap3A_235 = vector.shape_cast %swap3A_234 : vector<16xf32> to vector<16xf32>
      %swap3A_236 = vector.shape_cast %get3A_228 : vector<16xf32> to vector<16xf32>
      tpu.vector_store %arg5[%swap3A_233], %swap3A_236 {strides = array<i32>} : memref<9216xf32, #tpu.memory_space<vmem>>, vector<16xf32>,
      %get3A_237 = arith.constant 0 : i32
      %get3A_238 = arith.constant 0 : i32
      %get3A_239 = arith.constant 1 : i32
      %get3A_240 = arith.index_cast %get3A_237 : i32 to index
      %get3A_241 = arith.index_cast %get3A_238 : i32 to index
      %get3A_242 = arith.index_cast %scan3A_200 : i32 to index
      %get3A_243 = arith.index_cast %get3A_239 : i32 to index
      %get3A_244 = arith.constant 0 : index
      %get3A_245 = tpu.vector_load %arg4[%get3A_240, %get3A_241, %get3A_242, %get3A_243, %get3A_244] {strides = array<i32>} : memref<2x2x12x12x128xf32, #tpu.memory_space<vmem>>, vector<1x1x1x1x16xf32>,
      %get3A_246 = vector.shape_cast %get3A_245 : vector<1x1x1x1x16xf32> to vector<16xf32>
      %add3A_247 = arith.constant 0 : i32
      %add3A_248 = arith.addi %add3A_247, %mul3A_202 : i32
      %add3A_249 = arith.constant 16 : i32
      %add3A_250 = arith.addi %add3A_248, %add3A_249 : i32
      %swap3A_251 = arith.index_cast %add3A_250 : i32 to index
      %swap3A_252 = tpu.vector_load %arg5[%swap3A_251] {strides = array<i32>} : memref<9216xf32, #tpu.memory_space<vmem>>, vector<16xf32>,
      %swap3A_253 = vector.shape_cast %swap3A_252 : vector<16xf32> to vector<16xf32>
      %swap3A_254 = vector.shape_cast %get3A_246 : vector<16xf32> to vector<16xf32>
      tpu.vector_store %arg5[%swap3A_251], %swap3A_254 {strides = array<i32>} : memref<9216xf32, #tpu.memory_space<vmem>>, vector<16xf32>,
      %get3A_255 = arith.constant 0 : i32
      %get3A_256 = arith.constant 1 : i32
      %get3A_257 = arith.constant 1 : i32
      %get3A_258 = arith.index_cast %get3A_255 : i32 to index
      %get3A_259 = arith.index_cast %get3A_256 : i32 to index
      %get3A_260 = arith.index_cast %scan3A_200 : i32 to index
      %get3A_261 = arith.index_cast %get3A_257 : i32 to index
      %get3A_262 = arith.constant 112 : index
      %get3A_263 = tpu.vector_load %arg4[%get3A_258, %get3A_259, %get3A_260, %get3A_261, %get3A_262] {strides = array<i32>} : memref<2x2x12x12x128xf32, #tpu.memory_space<vmem>>, vector<1x1x1x1x16xf32>,
      %get3A_264 = vector.shape_cast %get3A_263 : vector<1x1x1x1x16xf32> to vector<16xf32>
      %add3A_265 = arith.constant 2304 : i32
      %add3A_266 = arith.addi %add3A_265, %mul3A_202 : i32
      %add3A_267 = arith.constant 16 : i32
      %add3A_268 = arith.addi %add3A_266, %add3A_267 : i32
      %swap3A_269 = arith.index_cast %add3A_268 : i32 to index
      %swap3A_270 = tpu.vector_load %arg5[%swap3A_269] {strides = array<i32>} : memref<9216xf32, #tpu.memory_space<vmem>>, vector<16xf32>,
      %swap3A_271 = vector.shape_cast %swap3A_270 : vector<16xf32> to vector<16xf32>
      %swap3A_272 = vector.shape_cast %get3A_264 : vector<16xf32> to vector<16xf32>
      tpu.vector_store %arg5[%swap3A_269], %swap3A_272 {strides = array<i32>} : memref<9216xf32, #tpu.memory_space<vmem>>, vector<16xf32>,
      %get3A_273 = arith.constant 0 : i32
      %get3A_274 = arith.constant 0 : i32
      %get3A_275 = arith.constant 2 : i32
      %get3A_276 = arith.index_cast %get3A_273 : i32 to index
      %get3A_277 = arith.index_cast %get3A_274 : i32 to index
      %get3A_278 = arith.index_cast %scan3A_200 : i32 to index
      %get3A_279 = arith.index_cast %get3A_275 : i32 to index
      %get3A_280 = arith.constant 0 : index
      %get3A_281 = tpu.vector_load %arg4[%get3A_276, %get3A_277, %get3A_278, %get3A_279, %get3A_280] {strides = array<i32>} : memref<2x2x12x12x128xf32, #tpu.memory_space<vmem>>, vector<1x1x1x1x16xf32>,
      %get3A_282 = vector.shape_cast %get3A_281 : vector<1x1x1x1x16xf32> to vector<16xf32>
      %add3A_283 = arith.constant 0 : i32
      %add3A_284 = arith.addi %add3A_283, %mul3A_202 : i32
      %add3A_285 = arith.constant 32 : i32
      %add3A_286 = arith.addi %add3A_284, %add3A_285 : i32
      %swap3A_287 = arith.index_cast %add3A_286 : i32 to index
      %swap3A_288 = tpu.vector_load %arg5[%swap3A_287] {strides = array<i32>} : memref<9216xf32, #tpu.memory_space<vmem>>, vector<16xf32>,
      %swap3A_289 = vector.shape_cast %swap3A_288 : vector<16xf32> to vector<16xf32>
      %swap3A_290 = vector.shape_cast %get3A_282 : vector<16xf32> to vector<16xf32>
      tpu.vector_store %arg5[%swap3A_287], %swap3A_290 {strides = array<i32>} : memref<9216xf32, #tpu.memory_space<vmem>>, vector<16xf32>,
      %get3A_291 = arith.constant 0 : i32
      %get3A_292 = arith.constant 1 : i32
      %get3A_293 = arith.constant 2 : i32
      %get3A_294 = arith.index_cast %get3A_291 : i32 to index
      %get3A_295 = arith.index_cast %get3A_292 : i32 to index
      %get3A_296 = arith.index_cast %scan3A_200 : i32 to index
      %get3A_297 = arith.index_cast %get3A_293 : i32 to index
      %get3A_298 = arith.constant 112 : index
      %get3A_299 = tpu.vector_load %arg4[%get3A_294, %get3A_295, %get3A_296, %get3A_297, %get3A_298] {strides = array<i32>} : memref<2x2x12x12x128xf32, #tpu.memory_space<vmem>>, vector<1x1x1x1x16xf32>,
      %get3A_300 = vector.shape_cast %get3A_299 : vector<1x1x1x1x16xf32> to vector<16xf32>
      %add3A_301 = arith.constant 2304 : i32
      %add3A_302 = arith.addi %add3A_301, %mul3A_202 : i32
      %add3A_303 = arith.constant 32 : i32
      %add3A_304 = arith.addi %add3A_302, %add3A_303 : i32
      %swap3A_305 = arith.index_cast %add3A_304 : i32 to index
      %swap3A_306 = tpu.vector_load %arg5[%swap3A_305] {strides = array<i32>} : memref<9216xf32, #tpu.memory_space<vmem>>, vector<16xf32>,
      %swap3A_307 = vector.shape_cast %swap3A_306 : vector<16xf32> to vector<16xf32>
      %swap3A_308 = vector.shape_cast %get3A_300 : vector<16xf32> to vector<16xf32>
      tpu.vector_store %arg5[%swap3A_305], %swap3A_308 {strides = array<i32>} : memref<9216xf32, #tpu.memory_space<vmem>>, vector<16xf32>,
      %get3A_309 = arith.constant 0 : i32
      %get3A_310 = arith.constant 0 : i32
      %get3A_311 = arith.constant 3 : i32
      %get3A_312 = arith.index_cast %get3A_309 : i32 to index
      %get3A_313 = arith.index_cast %get3A_310 : i32 to index
      %get3A_314 = arith.index_cast %scan3A_200 : i32 to index
      %get3A_315 = arith.index_cast %get3A_311 : i32 to index
      %get3A_316 = arith.constant 0 : index
      %get3A_317 = tpu.vector_load %arg4[%get3A_312, %get3A_313, %get3A_314, %get3A_315, %get3A_316] {strides = array<i32>} : memref<2x2x12x12x128xf32, #tpu.memory_space<vmem>>, vector<1x1x1x1x16xf32>,
      %get3A_318 = vector.shape_cast %get3A_317 : vector<1x1x1x1x16xf32> to vector<16xf32>
      %add3A_319 = arith.constant 0 : i32
      %add3A_320 = arith.addi %add3A_319, %mul3A_202 : i32
      %add3A_321 = arith.constant 48 : i32
      %add3A_322 = arith.addi %add3A_320, %add3A_321 : i32
      %swap3A_323 = arith.index_cast %add3A_322 : i32 to index
      %swap3A_324 = tpu.vector_load %arg5[%swap3A_323] {strides = array<i32>} : memref<9216xf32, #tpu.memory_space<vmem>>, vector<16xf32>,
      %swap3A_325 = vector.shape_cast %swap3A_324 : vector<16xf32> to vector<16xf32>
      %swap3A_326 = vector.shape_cast %get3A_318 : vector<16xf32> to vector<16xf32>
      tpu.vector_store %arg5[%swap3A_323], %swap3A_326 {strides = array<i32>} : memref<9216xf32, #tpu.memory_space<vmem>>, vector<16xf32>,
      %get3A_327 = arith.constant 0 : i32
      %get3A_328 = arith.constant 1 : i32
      %get3A_329 = arith.constant 3 : i32
      %get3A_330 = arith.index_cast %get3A_327 : i32 to index
      %get3A_331 = arith.index_cast %get3A_328 : i32 to index
      %get3A_332 = arith.index_cast %scan3A_200 : i32 to index
      %get3A_333 = arith.index_cast %get3A_329 : i32 to index
      %get3A_334 = arith.constant 112 : index
      %get3A_335 = tpu.vector_load %arg4[%get3A_330, %get3A_331, %get3A_332, %get3A_333, %get3A_334] {strides = array<i32>} : memref<2x2x12x12x128xf32, #tpu.memory_space<vmem>>, vector<1x1x1x1x16xf32>,
      %get3A_336 = vector.shape_cast %get3A_335 : vector<1x1x1x1x16xf32> to vector<16xf32>
      %add3A_337 = arith.constant 2304 : i32
      %add3A_338 = arith.addi %add3A_337, %mul3A_202 : i32
      %add3A_339 = arith.constant 48 : i32
      %add3A_340 = arith.addi %add3A_338, %add3A_339 : i32
      %swap3A_341 = arith.index_cast %add3A_340 : i32 to index
      %swap3A_342 = tpu.vector_load %arg5[%swap3A_341] {strides = array<i32>} : memref<9216xf32, #tpu.memory_space<vmem>>, vector<16xf32>,
      %swap3A_343 = vector.shape_cast %swap3A_342 : vector<16xf32> to vector<16xf32>
      %swap3A_344 = vector.shape_cast %get3A_336 : vector<16xf32> to vector<16xf32>
      tpu.vector_store %arg5[%swap3A_341], %swap3A_344 {strides = array<i32>} : memref<9216xf32, #tpu.memory_space<vmem>>, vector<16xf32>,
      %get3A_345 = arith.constant 0 : i32
      %get3A_346 = arith.constant 0 : i32
      %get3A_347 = arith.constant 4 : i32
      %get3A_348 = arith.index_cast %get3A_345 : i32 to index
      %get3A_349 = arith.index_cast %get3A_346 : i32 to index
      %get3A_350 = arith.index_cast %scan3A_200 : i32 to index
      %get3A_351 = arith.index_cast %get3A_347 : i32 to index
      %get3A_352 = arith.constant 0 : index
      %get3A_353 = tpu.vector_load %arg4[%get3A_348, %get3A_349, %get3A_350, %get3A_351, %get3A_352] {strides = array<i32>} : memref<2x2x12x12x128xf32, #tpu.memory_space<vmem>>, vector<1x1x1x1x16xf32>,
      %get3A_354 = vector.shape_cast %get3A_353 : vector<1x1x1x1x16xf32> to vector<16xf32>
      %add3A_355 = arith.constant 0 : i32
      %add3A_356 = arith.addi %add3A_355, %mul3A_202 : i32
      %add3A_357 = arith.constant 64 : i32
      %add3A_358 = arith.addi %add3A_356, %add3A_357 : i32
      %swap3A_359 = arith.index_cast %add3A_358 : i32 to index
      %swap3A_360 = tpu.vector_load %arg5[%swap3A_359] {strides = array<i32>} : memref<9216xf32, #tpu.memory_space<vmem>>, vector<16xf32>,
      %swap3A_361 = vector.shape_cast %swap3A_360 : vector<16xf32> to vector<16xf32>
      %swap3A_362 = vector.shape_cast %get3A_354 : vector<16xf32> to vector<16xf32>
      tpu.vector_store %arg5[%swap3A_359], %swap3A_362 {strides = array<i32>} : memref<9216xf32, #tpu.memory_space<vmem>>, vector<16xf32>,
      %get3A_363 = arith.constant 0 : i32
      %get3A_364 = arith.constant 1 : i32
      %get3A_365 = arith.constant 4 : i32
      %get3A_366 = arith.index_cast %get3A_363 : i32 to index
      %get3A_367 = arith.index_cast %get3A_364 : i32 to index
      %get3A_368 = arith.index_cast %scan3A_200 : i32 to index
      %get3A_369 = arith.index_cast %get3A_365 : i32 to index
      %get3A_370 = arith.constant 112 : index
      %get3A_371 = tpu.vector_load %arg4[%get3A_366, %get3A_367, %get3A_368, %get3A_369, %get3A_370] {strides = array<i32>} : memref<2x2x12x12x128xf32, #tpu.memory_space<vmem>>, vector<1x1x1x1x16xf32>,
      %get3A_372 = vector.shape_cast %get3A_371 : vector<1x1x1x1x16xf32> to vector<16xf32>
      %add3A_373 = arith.constant 2304 : i32
      %add3A_374 = arith.addi %add3A_373, %mul3A_202 : i32
      %add3A_375 = arith.constant 64 : i32
      %add3A_376 = arith.addi %add3A_374, %add3A_375 : i32
      %swap3A_377 = arith.index_cast %add3A_376 : i32 to index
      %swap3A_378 = tpu.vector_load %arg5[%swap3A_377] {strides = array<i32>} : memref<9216xf32, #tpu.memory_space<vmem>>, vector<16xf32>,
      %swap3A_379 = vector.shape_cast %swap3A_378 : vector<16xf32> to vector<16xf32>
      %swap3A_380 = vector.shape_cast %get3A_372 : vector<16xf32> to vector<16xf32>
      tpu.vector_store %arg5[%swap3A_377], %swap3A_380 {strides = array<i32>} : memref<9216xf32, #tpu.memory_space<vmem>>, vector<16xf32>,
      %get3A_381 = arith.constant 0 : i32
      %get3A_382 = arith.constant 0 : i32
      %get3A_383 = arith.constant 5 : i32
      %get3A_384 = arith.index_cast %get3A_381 : i32 to index
      %get3A_385 = arith.index_cast %get3A_382 : i32 to index
      %get3A_386 = arith.index_cast %scan3A_200 : i32 to index
      %get3A_387 = arith.index_cast %get3A_383 : i32 to index
      %get3A_388 = arith.constant 0 : index
      %get3A_389 = tpu.vector_load %arg4[%get3A_384, %get3A_385, %get3A_386, %get3A_387, %get3A_388] {strides = array<i32>} : memref<2x2x12x12x128xf32, #tpu.memory_space<vmem>>, vector<1x1x1x1x16xf32>,
      %get3A_390 = vector.shape_cast %get3A_389 : vector<1x1x1x1x16xf32> to vector<16xf32>
      %add3A_391 = arith.constant 0 : i32
      %add3A_392 = arith.addi %add3A_391, %mul3A_202 : i32
      %add3A_393 = arith.constant 80 : i32
      %add3A_394 = arith.addi %add3A_392, %add3A_393 : i32
      %swap3A_395 = arith.index_cast %add3A_394 : i32 to index
      %swap3A_396 = tpu.vector_load %arg5[%swap3A_395] {strides = array<i32>} : memref<9216xf32, #tpu.memory_space<vmem>>, vector<16xf32>,
      %swap3A_397 = vector.shape_cast %swap3A_396 : vector<16xf32> to vector<16xf32>
      %swap3A_398 = vector.shape_cast %get3A_390 : vector<16xf32> to vector<16xf32>
      tpu.vector_store %arg5[%swap3A_395], %swap3A_398 {strides = array<i32>} : memref<9216xf32, #tpu.memory_space<vmem>>, vector<16xf32>,
      %get3A_399 = arith.constant 0 : i32
      %get3A_400 = arith.constant 1 : i32
      %get3A_401 = arith.constant 5 : i32
      %get3A_402 = arith.index_cast %get3A_399 : i32 to index
      %get3A_403 = arith.index_cast %get3A_400 : i32 to index
      %get3A_404 = arith.index_cast %scan3A_200 : i32 to index
      %get3A_405 = arith.index_cast %get3A_401 : i32 to index
      %get3A_406 = arith.constant 112 : index
      %get3A_407 = tpu.vector_load %arg4[%get3A_402, %get3A_403, %get3A_404, %get3A_405, %get3A_406] {strides = array<i32>} : memref<2x2x12x12x128xf32, #tpu.memory_space<vmem>>, vector<1x1x1x1x16xf32>,
      %get3A_408 = vector.shape_cast %get3A_407 : vector<1x1x1x1x16xf32> to vector<16xf32>
      %add3A_409 = arith.constant 2304 : i32
      %add3A_410 = arith.addi %add3A_409, %mul3A_202 : i32
      %add3A_411 = arith.constant 80 : i32
      %add3A_412 = arith.addi %add3A_410, %add3A_411 : i32
      %swap3A_413 = arith.index_cast %add3A_412 : i32 to index
      %swap3A_414 = tpu.vector_load %arg5[%swap3A_413] {strides = array<i32>} : memref<9216xf32, #tpu.memory_space<vmem>>, vector<16xf32>,
      %swap3A_415 = vector.shape_cast %swap3A_414 : vector<16xf32> to vector<16xf32>
      %swap3A_416 = vector.shape_cast %get3A_408 : vector<16xf32> to vector<16xf32>
      tpu.vector_store %arg5[%swap3A_413], %swap3A_416 {strides = array<i32>} : memref<9216xf32, #tpu.memory_space<vmem>>, vector<16xf32>,
      %get3A_417 = arith.constant 0 : i32
      %get3A_418 = arith.constant 0 : i32
      %get3A_419 = arith.constant 6 : i32
      %get3A_420 = arith.index_cast %get3A_417 : i32 to index
      %get3A_421 = arith.index_cast %get3A_418 : i32 to index
      %get3A_422 = arith.index_cast %scan3A_200 : i32 to index
      %get3A_423 = arith.index_cast %get3A_419 : i32 to index
      %get3A_424 = arith.constant 0 : index
      %get3A_425 = tpu.vector_load %arg4[%get3A_420, %get3A_421, %get3A_422, %get3A_423, %get3A_424] {strides = array<i32>} : memref<2x2x12x12x128xf32, #tpu.memory_space<vmem>>, vector<1x1x1x1x16xf32>,
      %get3A_426 = vector.shape_cast %get3A_425 : vector<1x1x1x1x16xf32> to vector<16xf32>
      %add3A_427 = arith.constant 0 : i32
      %add3A_428 = arith.addi %add3A_427, %mul3A_202 : i32
      %add3A_429 = arith.constant 96 : i32
      %add3A_430 = arith.addi %add3A_428, %add3A_429 : i32
      %swap3A_431 = arith.index_cast %add3A_430 : i32 to index
      %swap3A_432 = tpu.vector_load %arg5[%swap3A_431] {strides = array<i32>} : memref<9216xf32, #tpu.memory_space<vmem>>, vector<16xf32>,
      %swap3A_433 = vector.shape_cast %swap3A_432 : vector<16xf32> to vector<16xf32>
      %swap3A_434 = vector.shape_cast %get3A_426 : vector<16xf32> to vector<16xf32>
      tpu.vector_store %arg5[%swap3A_431], %swap3A_434 {strides = array<i32>} : memref<9216xf32, #tpu.memory_space<vmem>>, vector<16xf32>,
      %get3A_435 = arith.constant 0 : i32
      %get3A_436 = arith.constant 1 : i32
      %get3A_437 = arith.constant 6 : i32
      %get3A_438 = arith.index_cast %get3A_435 : i32 to index
      %get3A_439 = arith.index_cast %get3A_436 : i32 to index
      %get3A_440 = arith.index_cast %scan3A_200 : i32 to index
      %get3A_441 = arith.index_cast %get3A_437 : i32 to index
      %get3A_442 = arith.constant 112 : index
      %get3A_443 = tpu.vector_load %arg4[%get3A_438, %get3A_439, %get3A_440, %get3A_441, %get3A_442] {strides = array<i32>} : memref<2x2x12x12x128xf32, #tpu.memory_space<vmem>>, vector<1x1x1x1x16xf32>,
      %get3A_444 = vector.shape_cast %get3A_443 : vector<1x1x1x1x16xf32> to vector<16xf32>
      %add3A_445 = arith.constant 2304 : i32
      %add3A_446 = arith.addi %add3A_445, %mul3A_202 : i32
      %add3A_447 = arith.constant 96 : i32
      %add3A_448 = arith.addi %add3A_446, %add3A_447 : i32
      %swap3A_449 = arith.index_cast %add3A_448 : i32 to index
      %swap3A_450 = tpu.vector_load %arg5[%swap3A_449] {strides = array<i32>} : memref<9216xf32, #tpu.memory_space<vmem>>, vector<16xf32>,
      %swap3A_451 = vector.shape_cast %swap3A_450 : vector<16xf32> to vector<16xf32>
      %swap3A_452 = vector.shape_cast %get3A_444 : vector<16xf32> to vector<16xf32>
      tpu.vector_store %arg5[%swap3A_449], %swap3A_452 {strides = array<i32>} : memref<9216xf32, #tpu.memory_space<vmem>>, vector<16xf32>,
      %get3A_453 = arith.constant 0 : i32
      %get3A_454 = arith.constant 0 : i32
      %get3A_455 = arith.constant 7 : i32
      %get3A_456 = arith.index_cast %get3A_453 : i32 to index
      %get3A_457 = arith.index_cast %get3A_454 : i32 to index
      %get3A_458 = arith.index_cast %scan3A_200 : i32 to index
      %get3A_459 = arith.index_cast %get3A_455 : i32 to index
      %get3A_460 = arith.constant 0 : index
      %get3A_461 = tpu.vector_load %arg4[%get3A_456, %get3A_457, %get3A_458, %get3A_459, %get3A_460] {strides = array<i32>} : memref<2x2x12x12x128xf32, #tpu.memory_space<vmem>>, vector<1x1x1x1x16xf32>,
      %get3A_462 = vector.shape_cast %get3A_461 : vector<1x1x1x1x16xf32> to vector<16xf32>
      %add3A_463 = arith.constant 0 : i32
      %add3A_464 = arith.addi %add3A_463, %mul3A_202 : i32
      %add3A_465 = arith.constant 112 : i32
      %add3A_466 = arith.addi %add3A_464, %add3A_465 : i32
      %swap3A_467 = arith.index_cast %add3A_466 : i32 to index
      %swap3A_468 = tpu.vector_load %arg5[%swap3A_467] {strides = array<i32>} : memref<9216xf32, #tpu.memory_space<vmem>>, vector<16xf32>,
      %swap3A_469 = vector.shape_cast %swap3A_468 : vector<16xf32> to vector<16xf32>
      %swap3A_470 = vector.shape_cast %get3A_462 : vector<16xf32> to vector<16xf32>
      tpu.vector_store %arg5[%swap3A_467], %swap3A_470 {strides = array<i32>} : memref<9216xf32, #tpu.memory_space<vmem>>, vector<16xf32>,
      %get3A_471 = arith.constant 0 : i32
      %get3A_472 = arith.constant 1 : i32
      %get3A_473 = arith.constant 7 : i32
      %get3A_474 = arith.index_cast %get3A_471 : i32 to index
      %get3A_475 = arith.index_cast %get3A_472 : i32 to index
      %get3A_476 = arith.index_cast %scan3A_200 : i32 to index
      %get3A_477 = arith.index_cast %get3A_473 : i32 to index
      %get3A_478 = arith.constant 112 : index
      %get3A_479 = tpu.vector_load %arg4[%get3A_474, %get3A_475, %get3A_476, %get3A_477, %get3A_478] {strides = array<i32>} : memref<2x2x12x12x128xf32, #tpu.memory_space<vmem>>, vector<1x1x1x1x16xf32>,
      %get3A_480 = vector.shape_cast %get3A_479 : vector<1x1x1x1x16xf32> to vector<16xf32>
      %add3A_481 = arith.constant 2304 : i32
      %add3A_482 = arith.addi %add3A_481, %mul3A_202 : i32
      %add3A_483 = arith.constant 112 : i32
      %add3A_484 = arith.addi %add3A_482, %add3A_483 : i32
      %swap3A_485 = arith.index_cast %add3A_484 : i32 to index
      %swap3A_486 = tpu.vector_load %arg5[%swap3A_485] {strides = array<i32>} : memref<9216xf32, #tpu.memory_space<vmem>>, vector<16xf32>,
      %swap3A_487 = vector.shape_cast %swap3A_486 : vector<16xf32> to vector<16xf32>
      %swap3A_488 = vector.shape_cast %get3A_480 : vector<16xf32> to vector<16xf32>
      tpu.vector_store %arg5[%swap3A_485], %swap3A_488 {strides = array<i32>} : memref<9216xf32, #tpu.memory_space<vmem>>, vector<16xf32>,
      %get3A_489 = arith.constant 0 : i32
      %get3A_490 = arith.constant 0 : i32
      %get3A_491 = arith.constant 8 : i32
      %get3A_492 = arith.index_cast %get3A_489 : i32 to index
      %get3A_493 = arith.index_cast %get3A_490 : i32 to index
      %get3A_494 = arith.index_cast %scan3A_200 : i32 to index
      %get3A_495 = arith.index_cast %get3A_491 : i32 to index
      %get3A_496 = arith.constant 0 : index
      %get3A_497 = tpu.vector_load %arg4[%get3A_492, %get3A_493, %get3A_494, %get3A_495, %get3A_496] {strides = array<i32>} : memref<2x2x12x12x128xf32, #tpu.memory_space<vmem>>, vector<1x1x1x1x16xf32>,
      %get3A_498 = vector.shape_cast %get3A_497 : vector<1x1x1x1x16xf32> to vector<16xf32>
      %add3A_499 = arith.constant 0 : i32
      %add3A_500 = arith.addi %add3A_499, %mul3A_202 : i32
      %add3A_501 = arith.constant 128 : i32
      %add3A_502 = arith.addi %add3A_500, %add3A_501 : i32
      %swap3A_503 = arith.index_cast %add3A_502 : i32 to index
      %swap3A_504 = tpu.vector_load %arg5[%swap3A_503] {strides = array<i32>} : memref<9216xf32, #tpu.memory_space<vmem>>, vector<16xf32>,
      %swap3A_505 = vector.shape_cast %swap3A_504 : vector<16xf32> to vector<16xf32>
      %swap3A_506 = vector.shape_cast %get3A_498 : vector<16xf32> to vector<16xf32>
      tpu.vector_store %arg5[%swap3A_503], %swap3A_506 {strides = array<i32>} : memref<9216xf32, #tpu.memory_space<vmem>>, vector<16xf32>,
      %get3A_507 = arith.constant 0 : i32
      %get3A_508 = arith.constant 1 : i32
      %get3A_509 = arith.constant 8 : i32
      %get3A_510 = arith.index_cast %get3A_507 : i32 to index
      %get3A_511 = arith.index_cast %get3A_508 : i32 to index
      %get3A_512 = arith.index_cast %scan3A_200 : i32 to index
      %get3A_513 = arith.index_cast %get3A_509 : i32 to index
      %get3A_514 = arith.constant 112 : index
      %get3A_515 = tpu.vector_load %arg4[%get3A_510, %get3A_511, %get3A_512, %get3A_513, %get3A_514] {strides = array<i32>} : memref<2x2x12x12x128xf32, #tpu.memory_space<vmem>>, vector<1x1x1x1x16xf32>,
      %get3A_516 = vector.shape_cast %get3A_515 : vector<1x1x1x1x16xf32> to vector<16xf32>
      %add3A_517 = arith.constant 2304 : i32
      %add3A_518 = arith.addi %add3A_517, %mul3A_202 : i32
      %add3A_519 = arith.constant 128 : i32
      %add3A_520 = arith.addi %add3A_518, %add3A_519 : i32
      %swap3A_521 = arith.index_cast %add3A_520 : i32 to index
      %swap3A_522 = tpu.vector_load %arg5[%swap3A_521] {strides = array<i32>} : memref<9216xf32, #tpu.memory_space<vmem>>, vector<16xf32>,
      %swap3A_523 = vector.shape_cast %swap3A_522 : vector<16xf32> to vector<16xf32>
      %swap3A_524 = vector.shape_cast %get3A_516 : vector<16xf32> to vector<16xf32>
      tpu.vector_store %arg5[%swap3A_521], %swap3A_524 {strides = array<i32>} : memref<9216xf32, #tpu.memory_space<vmem>>, vector<16xf32>,
      %get3A_525 = arith.constant 0 : i32
      %get3A_526 = arith.constant 0 : i32
      %get3A_527 = arith.constant 9 : i32
      %get3A_528 = arith.index_cast %get3A_525 : i32 to index
      %get3A_529 = arith.index_cast %get3A_526 : i32 to index
      %get3A_530 = arith.index_cast %scan3A_200 : i32 to index
      %get3A_531 = arith.index_cast %get3A_527 : i32 to index
      %get3A_532 = arith.constant 0 : index
      %get3A_533 = tpu.vector_load %arg4[%get3A_528, %get3A_529, %get3A_530, %get3A_531, %get3A_532] {strides = array<i32>} : memref<2x2x12x12x128xf32, #tpu.memory_space<vmem>>, vector<1x1x1x1x16xf32>,
      %get3A_534 = vector.shape_cast %get3A_533 : vector<1x1x1x1x16xf32> to vector<16xf32>
      %add3A_535 = arith.constant 0 : i32
      %add3A_536 = arith.addi %add3A_535, %mul3A_202 : i32
      %add3A_537 = arith.constant 144 : i32
      %add3A_538 = arith.addi %add3A_536, %add3A_537 : i32
      %swap3A_539 = arith.index_cast %add3A_538 : i32 to index
      %swap3A_540 = tpu.vector_load %arg5[%swap3A_539] {strides = array<i32>} : memref<9216xf32, #tpu.memory_space<vmem>>, vector<16xf32>,
      %swap3A_541 = vector.shape_cast %swap3A_540 : vector<16xf32> to vector<16xf32>
      %swap3A_542 = vector.shape_cast %get3A_534 : vector<16xf32> to vector<16xf32>
      tpu.vector_store %arg5[%swap3A_539], %swap3A_542 {strides = array<i32>} : memref<9216xf32, #tpu.memory_space<vmem>>, vector<16xf32>,
      %get3A_543 = arith.constant 0 : i32
      %get3A_544 = arith.constant 1 : i32
      %get3A_545 = arith.constant 9 : i32
      %get3A_546 = arith.index_cast %get3A_543 : i32 to index
      %get3A_547 = arith.index_cast %get3A_544 : i32 to index
      %get3A_548 = arith.index_cast %scan3A_200 : i32 to index
      %get3A_549 = arith.index_cast %get3A_545 : i32 to index
      %get3A_550 = arith.constant 112 : index
      %get3A_551 = tpu.vector_load %arg4[%get3A_546, %get3A_547, %get3A_548, %get3A_549, %get3A_550] {strides = array<i32>} : memref<2x2x12x12x128xf32, #tpu.memory_space<vmem>>, vector<1x1x1x1x16xf32>,
      %get3A_552 = vector.shape_cast %get3A_551 : vector<1x1x1x1x16xf32> to vector<16xf32>
      %add3A_553 = arith.constant 2304 : i32
      %add3A_554 = arith.addi %add3A_553, %mul3A_202 : i32
      %add3A_555 = arith.constant 144 : i32
      %add3A_556 = arith.addi %add3A_554, %add3A_555 : i32
      %swap3A_557 = arith.index_cast %add3A_556 : i32 to index
      %swap3A_558 = tpu.vector_load %arg5[%swap3A_557] {strides = array<i32>} : memref<9216xf32, #tpu.memory_space<vmem>>, vector<16xf32>,
      %swap3A_559 = vector.shape_cast %swap3A_558 : vector<16xf32> to vector<16xf32>
      %swap3A_560 = vector.shape_cast %get3A_552 : vector<16xf32> to vector<16xf32>
      tpu.vector_store %arg5[%swap3A_557], %swap3A_560 {strides = array<i32>} : memref<9216xf32, #tpu.memory_space<vmem>>, vector<16xf32>,
      %get3A_561 = arith.constant 0 : i32
      %get3A_562 = arith.constant 0 : i32
      %get3A_563 = arith.constant 10 : i32
      %get3A_564 = arith.index_cast %get3A_561 : i32 to index
      %get3A_565 = arith.index_cast %get3A_562 : i32 to index
      %get3A_566 = arith.index_cast %scan3A_200 : i32 to index
      %get3A_567 = arith.index_cast %get3A_563 : i32 to index
      %get3A_568 = arith.constant 0 : index
      %get3A_569 = tpu.vector_load %arg4[%get3A_564, %get3A_565, %get3A_566, %get3A_567, %get3A_568] {strides = array<i32>} : memref<2x2x12x12x128xf32, #tpu.memory_space<vmem>>, vector<1x1x1x1x16xf32>,
      %get3A_570 = vector.shape_cast %get3A_569 : vector<1x1x1x1x16xf32> to vector<16xf32>
      %add3A_571 = arith.constant 0 : i32
      %add3A_572 = arith.addi %add3A_571, %mul3A_202 : i32
      %add3A_573 = arith.constant 160 : i32
      %add3A_574 = arith.addi %add3A_572, %add3A_573 : i32
      %swap3A_575 = arith.index_cast %add3A_574 : i32 to index
      %swap3A_576 = tpu.vector_load %arg5[%swap3A_575] {strides = array<i32>} : memref<9216xf32, #tpu.memory_space<vmem>>, vector<16xf32>,
      %swap3A_577 = vector.shape_cast %swap3A_576 : vector<16xf32> to vector<16xf32>
      %swap3A_578 = vector.shape_cast %get3A_570 : vector<16xf32> to vector<16xf32>
      tpu.vector_store %arg5[%swap3A_575], %swap3A_578 {strides = array<i32>} : memref<9216xf32, #tpu.memory_space<vmem>>, vector<16xf32>,
      %get3A_579 = arith.constant 0 : i32
      %get3A_580 = arith.constant 1 : i32
      %get3A_581 = arith.constant 10 : i32
      %get3A_582 = arith.index_cast %get3A_579 : i32 to index
      %get3A_583 = arith.index_cast %get3A_580 : i32 to index
      %get3A_584 = arith.index_cast %scan3A_200 : i32 to index
      %get3A_585 = arith.index_cast %get3A_581 : i32 to index
      %get3A_586 = arith.constant 112 : index
      %get3A_587 = tpu.vector_load %arg4[%get3A_582, %get3A_583, %get3A_584, %get3A_585, %get3A_586] {strides = array<i32>} : memref<2x2x12x12x128xf32, #tpu.memory_space<vmem>>, vector<1x1x1x1x16xf32>,
      %get3A_588 = vector.shape_cast %get3A_587 : vector<1x1x1x1x16xf32> to vector<16xf32>
      %add3A_589 = arith.constant 2304 : i32
      %add3A_590 = arith.addi %add3A_589, %mul3A_202 : i32
      %add3A_591 = arith.constant 160 : i32
      %add3A_592 = arith.addi %add3A_590, %add3A_591 : i32
      %swap3A_593 = arith.index_cast %add3A_592 : i32 to index
      %swap3A_594 = tpu.vector_load %arg5[%swap3A_593] {strides = array<i32>} : memref<9216xf32, #tpu.memory_space<vmem>>, vector<16xf32>,
      %swap3A_595 = vector.shape_cast %swap3A_594 : vector<16xf32> to vector<16xf32>
      %swap3A_596 = vector.shape_cast %get3A_588 : vector<16xf32> to vector<16xf32>
      tpu.vector_store %arg5[%swap3A_593], %swap3A_596 {strides = array<i32>} : memref<9216xf32, #tpu.memory_space<vmem>>, vector<16xf32>,
      %get3A_597 = arith.constant 0 : i32
      %get3A_598 = arith.constant 0 : i32
      %get3A_599 = arith.constant 11 : i32
      %get3A_600 = arith.index_cast %get3A_597 : i32 to index
      %get3A_601 = arith.index_cast %get3A_598 : i32 to index
      %get3A_602 = arith.index_cast %scan3A_200 : i32 to index
      %get3A_603 = arith.index_cast %get3A_599 : i32 to index
      %get3A_604 = arith.constant 0 : index
      %get3A_605 = tpu.vector_load %arg4[%get3A_600, %get3A_601, %get3A_602, %get3A_603, %get3A_604] {strides = array<i32>} : memref<2x2x12x12x128xf32, #tpu.memory_space<vmem>>, vector<1x1x1x1x16xf32>,
      %get3A_606 = vector.shape_cast %get3A_605 : vector<1x1x1x1x16xf32> to vector<16xf32>
      %add3A_607 = arith.constant 0 : i32
      %add3A_608 = arith.addi %add3A_607, %mul3A_202 : i32
      %add3A_609 = arith.constant 176 : i32
      %add3A_610 = arith.addi %add3A_608, %add3A_609 : i32
      %swap3A_611 = arith.index_cast %add3A_610 : i32 to index
      %swap3A_612 = tpu.vector_load %arg5[%swap3A_611] {strides = array<i32>} : memref<9216xf32, #tpu.memory_space<vmem>>, vector<16xf32>,
      %swap3A_613 = vector.shape_cast %swap3A_612 : vector<16xf32> to vector<16xf32>
      %swap3A_614 = vector.shape_cast %get3A_606 : vector<16xf32> to vector<16xf32>
      tpu.vector_store %arg5[%swap3A_611], %swap3A_614 {strides = array<i32>} : memref<9216xf32, #tpu.memory_space<vmem>>, vector<16xf32>,
      %get3A_615 = arith.constant 0 : i32
      %get3A_616 = arith.constant 1 : i32
      %get3A_617 = arith.constant 11 : i32
      %get3A_618 = arith.index_cast %get3A_615 : i32 to index
      %get3A_619 = arith.index_cast %get3A_616 : i32 to index
      %get3A_620 = arith.index_cast %scan3A_200 : i32 to index
      %get3A_621 = arith.index_cast %get3A_617 : i32 to index
      %get3A_622 = arith.constant 112 : index
      %get3A_623 = tpu.vector_load %arg4[%get3A_618, %get3A_619, %get3A_620, %get3A_621, %get3A_622] {strides = array<i32>} : memref<2x2x12x12x128xf32, #tpu.memory_space<vmem>>, vector<1x1x1x1x16xf32>,
      %get3A_624 = vector.shape_cast %get3A_623 : vector<1x1x1x1x16xf32> to vector<16xf32>
      %add3A_625 = arith.constant 2304 : i32
      %add3A_626 = arith.addi %add3A_625, %mul3A_202 : i32
      %add3A_627 = arith.constant 176 : i32
      %add3A_628 = arith.addi %add3A_626, %add3A_627 : i32
      %swap3A_629 = arith.index_cast %add3A_628 : i32 to index
      %swap3A_630 = tpu.vector_load %arg5[%swap3A_629] {strides = array<i32>} : memref<9216xf32, #tpu.memory_space<vmem>>, vector<16xf32>,
      %swap3A_631 = vector.shape_cast %swap3A_630 : vector<16xf32> to vector<16xf32>
      %swap3A_632 = vector.shape_cast %get3A_624 : vector<16xf32> to vector<16xf32>
      tpu.vector_store %arg5[%swap3A_629], %swap3A_632 {strides = array<i32>} : memref<9216xf32, #tpu.memory_space<vmem>>, vector<16xf32>,
    }
    %scan3A_145 = arith.constant 12 : i32
    %add3A_146 = arith.constant 0 : i32
    %add3A_147 = arith.addi %mul3A_2, %add3A_146 : i32
    "tpu.region"() ({
      %run_scoped3A = tpu.sem_alloc : memref<!tpu.dma_semaphore, #tpu.memory_space<semaphore_mem>>
      %dma_start3A_200 = arith.constant 0 : i32
      %dma_start3A_201 = tpu.memref_slice %arg5[%dma_start3A_200] : memref<9216xf32, #tpu.memory_space<vmem>> -> memref<4608xf32, #tpu.memory_space<vmem>>
      %dma_start3A_202 = arith.constant 0 : i32
      %dma_start3A_203 = tpu.memref_slice %arg3[%add3A_147, %dma_start3A_202] : memref<64x4608xf32, #tpu.memory_space<hbm>> -> memref<1x4608xf32, #tpu.memory_space<hbm>>
      %dma_start3A_204 = tpu.memref_squeeze %dma_start3A_203 : memref<1x4608xf32, #tpu.memory_space<hbm>> -> memref<4608xf32, #tpu.memory_space<hbm>>
      %dma_start3A_205 = arith.constant 0 : i32
      %dma_start3A_206 = tpu.memref_slice %arg3[%add3A_147, %dma_start3A_205] : memref<64x4608xf32, #tpu.memory_space<hbm>> -> memref<1x4608xf32, #tpu.memory_space<hbm>>
      %dma_start3A_207 = tpu.memref_squeeze %dma_start3A_206 : memref<1x4608xf32, #tpu.memory_space<hbm>> -> memref<4608xf32, #tpu.memory_space<hbm>>
      %dma_start3A_208 = arith.constant 0 : i32
      %dma_start3A_209 = tpu.memref_slice %arg5[%dma_start3A_208] : memref<9216xf32, #tpu.memory_space<vmem>> -> memref<4608xf32, #tpu.memory_space<vmem>>
      tpu.enqueue_dma source(%dma_start3A_209 : memref<4608xf32, #tpu.memory_space<vmem>>) target(%dma_start3A_207 : memref<4608xf32, #tpu.memory_space<hbm>>) target_semaphore(%run_scoped3A : memref<!tpu.dma_semaphore, #tpu.memory_space<semaphore_mem>>)
      %dma_wait3A_210 = arith.constant 0 : i32
      %dma_wait3A_211 = tpu.memref_slice %arg5[%dma_wait3A_210] : memref<9216xf32, #tpu.memory_space<vmem>> -> memref<4608xf32, #tpu.memory_space<vmem>>
      %dma_wait3A_212 = arith.constant 0 : i32
      %dma_wait3A_213 = tpu.memref_slice %arg3[%add3A_147, %dma_wait3A_212] : memref<64x4608xf32, #tpu.memory_space<hbm>> -> memref<1x4608xf32, #tpu.memory_space<hbm>>
      %dma_wait3A_214 = tpu.memref_squeeze %dma_wait3A_213 : memref<1x4608xf32, #tpu.memory_space<hbm>> -> memref<4608xf32, #tpu.memory_space<hbm>>
      %dma_wait3A_215 = arith.constant 0 : i32
      %dma_wait3A_216 = tpu.memref_slice %arg3[%add3A_147, %dma_wait3A_215] : memref<64x4608xf32, #tpu.memory_space<hbm>> -> memref<1x4608xf32, #tpu.memory_space<hbm>>
      %dma_wait3A_217 = tpu.memref_squeeze %dma_wait3A_216 : memref<1x4608xf32, #tpu.memory_space<hbm>> -> memref<4608xf32, #tpu.memory_space<hbm>>
      %dma_wait3A_218 = arith.constant 0 : i32
      %dma_wait3A_219 = tpu.memref_slice %arg5[%dma_wait3A_218] : memref<9216xf32, #tpu.memory_space<vmem>> -> memref<4608xf32, #tpu.memory_space<vmem>>
      tpu.wait_dma2 semaphore(%run_scoped3A : memref<!tpu.dma_semaphore, #tpu.memory_space<semaphore_mem>>) src(%dma_wait3A_219 : memref<4608xf32, #tpu.memory_space<vmem>>) dst(%dma_wait3A_217 : memref<4608xf32, #tpu.memory_space<hbm>>)
      tpu.yield
    }) : () -> ()
    %dma_wait3A_148 = arith.constant 1 : i32
    %dma_wait3A_149 = arith.constant 0 : i32
    %dma_wait3A_150 = arith.constant 0 : i32
    %dma_wait3A_151 = arith.constant 0 : i32
    %dma_wait3A_152 = arith.constant 0 : i32
    %dma_wait3A_153 = tpu.memref_slice %arg4[%dma_wait3A_148, %dma_wait3A_149, %dma_wait3A_150, %dma_wait3A_151, %dma_wait3A_152] : memref<2x2x12x12x128xf32, #tpu.memory_space<vmem>> -> memref<1x1x12x12x128xf32, #tpu.memory_space<vmem>>
    %dma_wait3A_154 = tpu.memref_squeeze %dma_wait3A_153 : memref<1x1x12x12x128xf32, #tpu.memory_space<vmem>> -> memref<12x12x128xf32, #tpu.memory_space<vmem>>
    %dma_wait3A_155 = arith.constant 0 : i32
    %dma_wait3A_156 = arith.constant 0 : i32
    %dma_wait3A_157 = arith.constant 0 : i32
    %dma_wait3A_158 = tpu.memref_slice %arg2[%dma_wait3A_155, %dma_wait3A_156, %add3A_51, %dma_wait3A_157] : memref<12x12x64x4096xf32, #tpu.memory_space<hbm>> -> memref<12x12x1x128xf32, #tpu.memory_space<hbm>>
    %dma_wait3A_159 = tpu.memref_squeeze %dma_wait3A_158 : memref<12x12x1x128xf32, #tpu.memory_space<hbm>> -> memref<12x12x128xf32, #tpu.memory_space<hbm>>
    %dma_wait3A_160 = arith.constant 0 : i32
    %dma_wait3A_161 = arith.constant 0 : i32
    %dma_wait3A_162 = arith.constant 0 : i32
    %dma_wait3A_163 = tpu.memref_slice %arg4[%dma_wait3A_148, %dma_wait3A_149, %dma_wait3A_160, %dma_wait3A_161, %dma_wait3A_162] : memref<2x2x12x12x128xf32, #tpu.memory_space<vmem>> -> memref<1x1x12x12x128xf32, #tpu.memory_space<vmem>>
    %dma_wait3A_164 = tpu.memref_squeeze %dma_wait3A_163 : memref<1x1x12x12x128xf32, #tpu.memory_space<vmem>> -> memref<12x12x128xf32, #tpu.memory_space<vmem>>
    %dma_wait3A_165 = arith.constant 0 : i32
    %dma_wait3A_166 = arith.constant 0 : i32
    %dma_wait3A_167 = arith.constant 0 : i32
    %dma_wait3A_168 = tpu.memref_slice %arg2[%dma_wait3A_165, %dma_wait3A_166, %add3A_51, %dma_wait3A_167] : memref<12x12x64x4096xf32, #tpu.memory_space<hbm>> -> memref<12x12x1x128xf32, #tpu.memory_space<hbm>>
    %dma_wait3A_169 = tpu.memref_squeeze %dma_wait3A_168 : memref<12x12x1x128xf32, #tpu.memory_space<hbm>> -> memref<12x12x128xf32, #tpu.memory_space<hbm>>
    tpu.wait_dma2 semaphore(%arg6 : memref<!tpu.dma_semaphore, #tpu.memory_space<semaphore_mem>>) src(%dma_wait3A_169 : memref<12x12x128xf32, #tpu.memory_space<hbm>>) dst(%dma_wait3A_164 : memref<12x12x128xf32, #tpu.memory_space<vmem>>)
    %dma_wait3A_170 = arith.constant 1 : i32
    %dma_wait3A_171 = arith.constant 1 : i32
    %dma_wait3A_172 = arith.constant 0 : i32
    %dma_wait3A_173 = arith.constant 0 : i32
    %dma_wait3A_174 = arith.constant 0 : i32
    %dma_wait3A_175 = tpu.memref_slice %arg4[%dma_wait3A_170, %dma_wait3A_171, %dma_wait3A_172, %dma_wait3A_173, %dma_wait3A_174] : memref<2x2x12x12x128xf32, #tpu.memory_space<vmem>> -> memref<1x1x12x12x128xf32, #tpu.memory_space<vmem>>
    %dma_wait3A_176 = tpu.memref_squeeze %dma_wait3A_175 : memref<1x1x12x12x128xf32, #tpu.memory_space<vmem>> -> memref<12x12x128xf32, #tpu.memory_space<vmem>>
    %dma_wait3A_177 = arith.constant 0 : i32
    %dma_wait3A_178 = arith.constant 0 : i32
    %dma_wait3A_179 = arith.constant 3968 : i32
    %dma_wait3A_180 = tpu.memref_slice %arg2[%dma_wait3A_177, %dma_wait3A_178, %add3A_75, %dma_wait3A_179] : memref<12x12x64x4096xf32, #tpu.memory_space<hbm>> -> memref<12x12x1x128xf32, #tpu.memory_space<hbm>>
    %dma_wait3A_181 = tpu.memref_squeeze %dma_wait3A_180 : memref<12x12x1x128xf32, #tpu.memory_space<hbm>> -> memref<12x12x128xf32, #tpu.memory_space<hbm>>
    %dma_wait3A_182 = arith.constant 0 : i32
    %dma_wait3A_183 = arith.constant 0 : i32
    %dma_wait3A_184 = arith.constant 0 : i32
    %dma_wait3A_185 = tpu.memref_slice %arg4[%dma_wait3A_170, %dma_wait3A_171, %dma_wait3A_182, %dma_wait3A_183, %dma_wait3A_184] : memref<2x2x12x12x128xf32, #tpu.memory_space<vmem>> -> memref<1x1x12x12x128xf32, #tpu.memory_space<vmem>>
    %dma_wait3A_186 = tpu.memref_squeeze %dma_wait3A_185 : memref<1x1x12x12x128xf32, #tpu.memory_space<vmem>> -> memref<12x12x128xf32, #tpu.memory_space<vmem>>
    %dma_wait3A_187 = arith.constant 0 : i32
    %dma_wait3A_188 = arith.constant 0 : i32
    %dma_wait3A_189 = arith.constant 3968 : i32
    %dma_wait3A_190 = tpu.memref_slice %arg2[%dma_wait3A_187, %dma_wait3A_188, %add3A_75, %dma_wait3A_189] : memref<12x12x64x4096xf32, #tpu.memory_space<hbm>> -> memref<12x12x1x128xf32, #tpu.memory_space<hbm>>
    %dma_wait3A_191 = tpu.memref_squeeze %dma_wait3A_190 : memref<12x12x1x128xf32, #tpu.memory_space<hbm>> -> memref<12x12x128xf32, #tpu.memory_space<hbm>>
    tpu.wait_dma2 semaphore(%arg6 : memref<!tpu.dma_semaphore, #tpu.memory_space<semaphore_mem>>) src(%dma_wait3A_191 : memref<12x12x128xf32, #tpu.memory_space<hbm>>) dst(%dma_wait3A_186 : memref<12x12x128xf32, #tpu.memory_space<vmem>>)
    %scan3A_192 = arith.constant 0 : i32
    %scan3A_193 = arith.constant 0 : i32
    %scan3A_194 = arith.constant 12 : i32
    %scan3A_195 = arith.addi %scan3A_193, %scan3A_194 : i32
    %scan3A_196 = arith.constant 1 : i32
    scf.for %scan3A_200 = %scan3A_193 to %scan3A_195 step %scan3A_196  : i32 {
      %mul3A_201 = arith.constant 192 : i32
      %mul3A_202 = arith.muli %scan3A_200, %mul3A_201 : i32
      %get3A = arith.constant 1 : i32
      %get3A_203 = arith.constant 0 : i32
      %get3A_204 = arith.constant 0 : i32
      %get3A_205 = arith.index_cast %get3A : i32 to index
      %get3A_206 = arith.index_cast %get3A_203 : i32 to index
      %get3A_207 = arith.index_cast %scan3A_200 : i32 to index
      %get3A_208 = arith.index_cast %get3A_204 : i32 to index
      %get3A_209 = arith.constant 0 : index
      %get3A_210 = tpu.vector_load %arg4[%get3A_205, %get3A_206, %get3A_207, %get3A_208, %get3A_209] {strides = array<i32>} : memref<2x2x12x12x128xf32, #tpu.memory_space<vmem>>, vector<1x1x1x1x16xf32>,
      %get3A_211 = vector.shape_cast %get3A_210 : vector<1x1x1x1x16xf32> to vector<16xf32>
      %add3A_212 = arith.constant 4608 : i32
      %add3A_213 = arith.addi %add3A_212, %mul3A_202 : i32
      %add3A_214 = arith.constant 0 : i32
      %add3A_215 = arith.addi %add3A_213, %add3A_214 : i32
      %swap3A = arith.index_cast %add3A_215 : i32 to index
      %swap3A_216 = tpu.vector_load %arg5[%swap3A] {strides = array<i32>} : memref<9216xf32, #tpu.memory_space<vmem>>, vector<16xf32>,
      %swap3A_217 = vector.shape_cast %swap3A_216 : vector<16xf32> to vector<16xf32>
      %swap3A_218 = vector.shape_cast %get3A_211 : vector<16xf32> to vector<16xf32>
      tpu.vector_store %arg5[%swap3A], %swap3A_218 {strides = array<i32>} : memref<9216xf32, #tpu.memory_space<vmem>>, vector<16xf32>,
      %get3A_219 = arith.constant 1 : i32
      %get3A_220 = arith.constant 1 : i32
      %get3A_221 = arith.constant 0 : i32
      %get3A_222 = arith.index_cast %get3A_219 : i32 to index
      %get3A_223 = arith.index_cast %get3A_220 : i32 to index
      %get3A_224 = arith.index_cast %scan3A_200 : i32 to index
      %get3A_225 = arith.index_cast %get3A_221 : i32 to index
      %get3A_226 = arith.constant 112 : index
      %get3A_227 = tpu.vector_load %arg4[%get3A_222, %get3A_223, %get3A_224, %get3A_225, %get3A_226] {strides = array<i32>} : memref<2x2x12x12x128xf32, #tpu.memory_space<vmem>>, vector<1x1x1x1x16xf32>,
      %get3A_228 = vector.shape_cast %get3A_227 : vector<1x1x1x1x16xf32> to vector<16xf32>
      %add3A_229 = arith.constant 6912 : i32
      %add3A_230 = arith.addi %add3A_229, %mul3A_202 : i32
      %add3A_231 = arith.constant 0 : i32
      %add3A_232 = arith.addi %add3A_230, %add3A_231 : i32
      %swap3A_233 = arith.index_cast %add3A_232 : i32 to index
      %swap3A_234 = tpu.vector_load %arg5[%swap3A_233] {strides = array<i32>} : memref<9216xf32, #tpu.memory_space<vmem>>, vector<16xf32>,
      %swap3A_235 = vector.shape_cast %swap3A_234 : vector<16xf32> to vector<16xf32>
      %swap3A_236 = vector.shape_cast %get3A_228 : vector<16xf32> to vector<16xf32>
      tpu.vector_store %arg5[%swap3A_233], %swap3A_236 {strides = array<i32>} : memref<9216xf32, #tpu.memory_space<vmem>>, vector<16xf32>,
      %get3A_237 = arith.constant 1 : i32
      %get3A_238 = arith.constant 0 : i32
      %get3A_239 = arith.constant 1 : i32
      %get3A_240 = arith.index_cast %get3A_237 : i32 to index
      %get3A_241 = arith.index_cast %get3A_238 : i32 to index
      %get3A_242 = arith.index_cast %scan3A_200 : i32 to index
      %get3A_243 = arith.index_cast %get3A_239 : i32 to index
      %get3A_244 = arith.constant 0 : index
      %get3A_245 = tpu.vector_load %arg4[%get3A_240, %get3A_241, %get3A_242, %get3A_243, %get3A_244] {strides = array<i32>} : memref<2x2x12x12x128xf32, #tpu.memory_space<vmem>>, vector<1x1x1x1x16xf32>,
      %get3A_246 = vector.shape_cast %get3A_245 : vector<1x1x1x1x16xf32> to vector<16xf32>
      %add3A_247 = arith.constant 4608 : i32
      %add3A_248 = arith.addi %add3A_247, %mul3A_202 : i32
      %add3A_249 = arith.constant 16 : i32
      %add3A_250 = arith.addi %add3A_248, %add3A_249 : i32
      %swap3A_251 = arith.index_cast %add3A_250 : i32 to index
      %swap3A_252 = tpu.vector_load %arg5[%swap3A_251] {strides = array<i32>} : memref<9216xf32, #tpu.memory_space<vmem>>, vector<16xf32>,
      %swap3A_253 = vector.shape_cast %swap3A_252 : vector<16xf32> to vector<16xf32>
      %swap3A_254 = vector.shape_cast %get3A_246 : vector<16xf32> to vector<16xf32>
      tpu.vector_store %arg5[%swap3A_251], %swap3A_254 {strides = array<i32>} : memref<9216xf32, #tpu.memory_space<vmem>>, vector<16xf32>,
      %get3A_255 = arith.constant 1 : i32
      %get3A_256 = arith.constant 1 : i32
      %get3A_257 = arith.constant 1 : i32
      %get3A_258 = arith.index_cast %get3A_255 : i32 to index
      %get3A_259 = arith.index_cast %get3A_256 : i32 to index
      %get3A_260 = arith.index_cast %scan3A_200 : i32 to index
      %get3A_261 = arith.index_cast %get3A_257 : i32 to index
      %get3A_262 = arith.constant 112 : index
      %get3A_263 = tpu.vector_load %arg4[%get3A_258, %get3A_259, %get3A_260, %get3A_261, %get3A_262] {strides = array<i32>} : memref<2x2x12x12x128xf32, #tpu.memory_space<vmem>>, vector<1x1x1x1x16xf32>,
      %get3A_264 = vector.shape_cast %get3A_263 : vector<1x1x1x1x16xf32> to vector<16xf32>
      %add3A_265 = arith.constant 6912 : i32
      %add3A_266 = arith.addi %add3A_265, %mul3A_202 : i32
      %add3A_267 = arith.constant 16 : i32
      %add3A_268 = arith.addi %add3A_266, %add3A_267 : i32
      %swap3A_269 = arith.index_cast %add3A_268 : i32 to index
      %swap3A_270 = tpu.vector_load %arg5[%swap3A_269] {strides = array<i32>} : memref<9216xf32, #tpu.memory_space<vmem>>, vector<16xf32>,
      %swap3A_271 = vector.shape_cast %swap3A_270 : vector<16xf32> to vector<16xf32>
      %swap3A_272 = vector.shape_cast %get3A_264 : vector<16xf32> to vector<16xf32>
      tpu.vector_store %arg5[%swap3A_269], %swap3A_272 {strides = array<i32>} : memref<9216xf32, #tpu.memory_space<vmem>>, vector<16xf32>,
      %get3A_273 = arith.constant 1 : i32
      %get3A_274 = arith.constant 0 : i32
      %get3A_275 = arith.constant 2 : i32
      %get3A_276 = arith.index_cast %get3A_273 : i32 to index
      %get3A_277 = arith.index_cast %get3A_274 : i32 to index
      %get3A_278 = arith.index_cast %scan3A_200 : i32 to index
      %get3A_279 = arith.index_cast %get3A_275 : i32 to index
      %get3A_280 = arith.constant 0 : index
      %get3A_281 = tpu.vector_load %arg4[%get3A_276, %get3A_277, %get3A_278, %get3A_279, %get3A_280] {strides = array<i32>} : memref<2x2x12x12x128xf32, #tpu.memory_space<vmem>>, vector<1x1x1x1x16xf32>,
      %get3A_282 = vector.shape_cast %get3A_281 : vector<1x1x1x1x16xf32> to vector<16xf32>
      %add3A_283 = arith.constant 4608 : i32
      %add3A_284 = arith.addi %add3A_283, %mul3A_202 : i32
      %add3A_285 = arith.constant 32 : i32
      %add3A_286 = arith.addi %add3A_284, %add3A_285 : i32
      %swap3A_287 = arith.index_cast %add3A_286 : i32 to index
      %swap3A_288 = tpu.vector_load %arg5[%swap3A_287] {strides = array<i32>} : memref<9216xf32, #tpu.memory_space<vmem>>, vector<16xf32>,
      %swap3A_289 = vector.shape_cast %swap3A_288 : vector<16xf32> to vector<16xf32>
      %swap3A_290 = vector.shape_cast %get3A_282 : vector<16xf32> to vector<16xf32>
      tpu.vector_store %arg5[%swap3A_287], %swap3A_290 {strides = array<i32>} : memref<9216xf32, #tpu.memory_space<vmem>>, vector<16xf32>,
      %get3A_291 = arith.constant 1 : i32
      %get3A_292 = arith.constant 1 : i32
      %get3A_293 = arith.constant 2 : i32
      %get3A_294 = arith.index_cast %get3A_291 : i32 to index
      %get3A_295 = arith.index_cast %get3A_292 : i32 to index
      %get3A_296 = arith.index_cast %scan3A_200 : i32 to index
      %get3A_297 = arith.index_cast %get3A_293 : i32 to index
      %get3A_298 = arith.constant 112 : index
      %get3A_299 = tpu.vector_load %arg4[%get3A_294, %get3A_295, %get3A_296, %get3A_297, %get3A_298] {strides = array<i32>} : memref<2x2x12x12x128xf32, #tpu.memory_space<vmem>>, vector<1x1x1x1x16xf32>,
      %get3A_300 = vector.shape_cast %get3A_299 : vector<1x1x1x1x16xf32> to vector<16xf32>
      %add3A_301 = arith.constant 6912 : i32
      %add3A_302 = arith.addi %add3A_301, %mul3A_202 : i32
      %add3A_303 = arith.constant 32 : i32
      %add3A_304 = arith.addi %add3A_302, %add3A_303 : i32
      %swap3A_305 = arith.index_cast %add3A_304 : i32 to index
      %swap3A_306 = tpu.vector_load %arg5[%swap3A_305] {strides = array<i32>} : memref<9216xf32, #tpu.memory_space<vmem>>, vector<16xf32>,
      %swap3A_307 = vector.shape_cast %swap3A_306 : vector<16xf32> to vector<16xf32>
      %swap3A_308 = vector.shape_cast %get3A_300 : vector<16xf32> to vector<16xf32>
      tpu.vector_store %arg5[%swap3A_305], %swap3A_308 {strides = array<i32>} : memref<9216xf32, #tpu.memory_space<vmem>>, vector<16xf32>,
      %get3A_309 = arith.constant 1 : i32
      %get3A_310 = arith.constant 0 : i32
      %get3A_311 = arith.constant 3 : i32
      %get3A_312 = arith.index_cast %get3A_309 : i32 to index
      %get3A_313 = arith.index_cast %get3A_310 : i32 to index
      %get3A_314 = arith.index_cast %scan3A_200 : i32 to index
      %get3A_315 = arith.index_cast %get3A_311 : i32 to index
      %get3A_316 = arith.constant 0 : index
      %get3A_317 = tpu.vector_load %arg4[%get3A_312, %get3A_313, %get3A_314, %get3A_315, %get3A_316] {strides = array<i32>} : memref<2x2x12x12x128xf32, #tpu.memory_space<vmem>>, vector<1x1x1x1x16xf32>,
      %get3A_318 = vector.shape_cast %get3A_317 : vector<1x1x1x1x16xf32> to vector<16xf32>
      %add3A_319 = arith.constant 4608 : i32
      %add3A_320 = arith.addi %add3A_319, %mul3A_202 : i32
      %add3A_321 = arith.constant 48 : i32
      %add3A_322 = arith.addi %add3A_320, %add3A_321 : i32
      %swap3A_323 = arith.index_cast %add3A_322 : i32 to index
      %swap3A_324 = tpu.vector_load %arg5[%swap3A_323] {strides = array<i32>} : memref<9216xf32, #tpu.memory_space<vmem>>, vector<16xf32>,
      %swap3A_325 = vector.shape_cast %swap3A_324 : vector<16xf32> to vector<16xf32>
      %swap3A_326 = vector.shape_cast %get3A_318 : vector<16xf32> to vector<16xf32>
      tpu.vector_store %arg5[%swap3A_323], %swap3A_326 {strides = array<i32>} : memref<9216xf32, #tpu.memory_space<vmem>>, vector<16xf32>,
      %get3A_327 = arith.constant 1 : i32
      %get3A_328 = arith.constant 1 : i32
      %get3A_329 = arith.constant 3 : i32
      %get3A_330 = arith.index_cast %get3A_327 : i32 to index
      %get3A_331 = arith.index_cast %get3A_328 : i32 to index
      %get3A_332 = arith.index_cast %scan3A_200 : i32 to index
      %get3A_333 = arith.index_cast %get3A_329 : i32 to index
      %get3A_334 = arith.constant 112 : index
      %get3A_335 = tpu.vector_load %arg4[%get3A_330, %get3A_331, %get3A_332, %get3A_333, %get3A_334] {strides = array<i32>} : memref<2x2x12x12x128xf32, #tpu.memory_space<vmem>>, vector<1x1x1x1x16xf32>,
      %get3A_336 = vector.shape_cast %get3A_335 : vector<1x1x1x1x16xf32> to vector<16xf32>
      %add3A_337 = arith.constant 6912 : i32
      %add3A_338 = arith.addi %add3A_337, %mul3A_202 : i32
      %add3A_339 = arith.constant 48 : i32
      %add3A_340 = arith.addi %add3A_338, %add3A_339 : i32
      %swap3A_341 = arith.index_cast %add3A_340 : i32 to index
      %swap3A_342 = tpu.vector_load %arg5[%swap3A_341] {strides = array<i32>} : memref<9216xf32, #tpu.memory_space<vmem>>, vector<16xf32>,
      %swap3A_343 = vector.shape_cast %swap3A_342 : vector<16xf32> to vector<16xf32>
      %swap3A_344 = vector.shape_cast %get3A_336 : vector<16xf32> to vector<16xf32>
      tpu.vector_store %arg5[%swap3A_341], %swap3A_344 {strides = array<i32>} : memref<9216xf32, #tpu.memory_space<vmem>>, vector<16xf32>,
      %get3A_345 = arith.constant 1 : i32
      %get3A_346 = arith.constant 0 : i32
      %get3A_347 = arith.constant 4 : i32
      %get3A_348 = arith.index_cast %get3A_345 : i32 to index
      %get3A_349 = arith.index_cast %get3A_346 : i32 to index
      %get3A_350 = arith.index_cast %scan3A_200 : i32 to index
      %get3A_351 = arith.index_cast %get3A_347 : i32 to index
      %get3A_352 = arith.constant 0 : index
      %get3A_353 = tpu.vector_load %arg4[%get3A_348, %get3A_349, %get3A_350, %get3A_351, %get3A_352] {strides = array<i32>} : memref<2x2x12x12x128xf32, #tpu.memory_space<vmem>>, vector<1x1x1x1x16xf32>,
      %get3A_354 = vector.shape_cast %get3A_353 : vector<1x1x1x1x16xf32> to vector<16xf32>
      %add3A_355 = arith.constant 4608 : i32
      %add3A_356 = arith.addi %add3A_355, %mul3A_202 : i32
      %add3A_357 = arith.constant 64 : i32
      %add3A_358 = arith.addi %add3A_356, %add3A_357 : i32
      %swap3A_359 = arith.index_cast %add3A_358 : i32 to index
      %swap3A_360 = tpu.vector_load %arg5[%swap3A_359] {strides = array<i32>} : memref<9216xf32, #tpu.memory_space<vmem>>, vector<16xf32>,
      %swap3A_361 = vector.shape_cast %swap3A_360 : vector<16xf32> to vector<16xf32>
      %swap3A_362 = vector.shape_cast %get3A_354 : vector<16xf32> to vector<16xf32>
      tpu.vector_store %arg5[%swap3A_359], %swap3A_362 {strides = array<i32>} : memref<9216xf32, #tpu.memory_space<vmem>>, vector<16xf32>,
      %get3A_363 = arith.constant 1 : i32
      %get3A_364 = arith.constant 1 : i32
      %get3A_365 = arith.constant 4 : i32
      %get3A_366 = arith.index_cast %get3A_363 : i32 to index
      %get3A_367 = arith.index_cast %get3A_364 : i32 to index
      %get3A_368 = arith.index_cast %scan3A_200 : i32 to index
      %get3A_369 = arith.index_cast %get3A_365 : i32 to index
      %get3A_370 = arith.constant 112 : index
      %get3A_371 = tpu.vector_load %arg4[%get3A_366, %get3A_367, %get3A_368, %get3A_369, %get3A_370] {strides = array<i32>} : memref<2x2x12x12x128xf32, #tpu.memory_space<vmem>>, vector<1x1x1x1x16xf32>,
      %get3A_372 = vector.shape_cast %get3A_371 : vector<1x1x1x1x16xf32> to vector<16xf32>
      %add3A_373 = arith.constant 6912 : i32
      %add3A_374 = arith.addi %add3A_373, %mul3A_202 : i32
      %add3A_375 = arith.constant 64 : i32
      %add3A_376 = arith.addi %add3A_374, %add3A_375 : i32
      %swap3A_377 = arith.index_cast %add3A_376 : i32 to index
      %swap3A_378 = tpu.vector_load %arg5[%swap3A_377] {strides = array<i32>} : memref<9216xf32, #tpu.memory_space<vmem>>, vector<16xf32>,
      %swap3A_379 = vector.shape_cast %swap3A_378 : vector<16xf32> to vector<16xf32>
      %swap3A_380 = vector.shape_cast %get3A_372 : vector<16xf32> to vector<16xf32>
      tpu.vector_store %arg5[%swap3A_377], %swap3A_380 {strides = array<i32>} : memref<9216xf32, #tpu.memory_space<vmem>>, vector<16xf32>,
      %get3A_381 = arith.constant 1 : i32
      %get3A_382 = arith.constant 0 : i32
      %get3A_383 = arith.constant 5 : i32
      %get3A_384 = arith.index_cast %get3A_381 : i32 to index
      %get3A_385 = arith.index_cast %get3A_382 : i32 to index
      %get3A_386 = arith.index_cast %scan3A_200 : i32 to index
      %get3A_387 = arith.index_cast %get3A_383 : i32 to index
      %get3A_388 = arith.constant 0 : index
      %get3A_389 = tpu.vector_load %arg4[%get3A_384, %get3A_385, %get3A_386, %get3A_387, %get3A_388] {strides = array<i32>} : memref<2x2x12x12x128xf32, #tpu.memory_space<vmem>>, vector<1x1x1x1x16xf32>,
      %get3A_390 = vector.shape_cast %get3A_389 : vector<1x1x1x1x16xf32> to vector<16xf32>
      %add3A_391 = arith.constant 4608 : i32
      %add3A_392 = arith.addi %add3A_391, %mul3A_202 : i32
      %add3A_393 = arith.constant 80 : i32
      %add3A_394 = arith.addi %add3A_392, %add3A_393 : i32
      %swap3A_395 = arith.index_cast %add3A_394 : i32 to index
      %swap3A_396 = tpu.vector_load %arg5[%swap3A_395] {strides = array<i32>} : memref<9216xf32, #tpu.memory_space<vmem>>, vector<16xf32>,
      %swap3A_397 = vector.shape_cast %swap3A_396 : vector<16xf32> to vector<16xf32>
      %swap3A_398 = vector.shape_cast %get3A_390 : vector<16xf32> to vector<16xf32>
      tpu.vector_store %arg5[%swap3A_395], %swap3A_398 {strides = array<i32>} : memref<9216xf32, #tpu.memory_space<vmem>>, vector<16xf32>,
      %get3A_399 = arith.constant 1 : i32
      %get3A_400 = arith.constant 1 : i32
      %get3A_401 = arith.constant 5 : i32
      %get3A_402 = arith.index_cast %get3A_399 : i32 to index
      %get3A_403 = arith.index_cast %get3A_400 : i32 to index
      %get3A_404 = arith.index_cast %scan3A_200 : i32 to index
      %get3A_405 = arith.index_cast %get3A_401 : i32 to index
      %get3A_406 = arith.constant 112 : index
      %get3A_407 = tpu.vector_load %arg4[%get3A_402, %get3A_403, %get3A_404, %get3A_405, %get3A_406] {strides = array<i32>} : memref<2x2x12x12x128xf32, #tpu.memory_space<vmem>>, vector<1x1x1x1x16xf32>,
      %get3A_408 = vector.shape_cast %get3A_407 : vector<1x1x1x1x16xf32> to vector<16xf32>
      %add3A_409 = arith.constant 6912 : i32
      %add3A_410 = arith.addi %add3A_409, %mul3A_202 : i32
      %add3A_411 = arith.constant 80 : i32
      %add3A_412 = arith.addi %add3A_410, %add3A_411 : i32
      %swap3A_413 = arith.index_cast %add3A_412 : i32 to index
      %swap3A_414 = tpu.vector_load %arg5[%swap3A_413] {strides = array<i32>} : memref<9216xf32, #tpu.memory_space<vmem>>, vector<16xf32>,
      %swap3A_415 = vector.shape_cast %swap3A_414 : vector<16xf32> to vector<16xf32>
      %swap3A_416 = vector.shape_cast %get3A_408 : vector<16xf32> to vector<16xf32>
      tpu.vector_store %arg5[%swap3A_413], %swap3A_416 {strides = array<i32>} : memref<9216xf32, #tpu.memory_space<vmem>>, vector<16xf32>,
      %get3A_417 = arith.constant 1 : i32
      %get3A_418 = arith.constant 0 : i32
      %get3A_419 = arith.constant 6 : i32
      %get3A_420 = arith.index_cast %get3A_417 : i32 to index
      %get3A_421 = arith.index_cast %get3A_418 : i32 to index
      %get3A_422 = arith.index_cast %scan3A_200 : i32 to index
      %get3A_423 = arith.index_cast %get3A_419 : i32 to index
      %get3A_424 = arith.constant 0 : index
      %get3A_425 = tpu.vector_load %arg4[%get3A_420, %get3A_421, %get3A_422, %get3A_423, %get3A_424] {strides = array<i32>} : memref<2x2x12x12x128xf32, #tpu.memory_space<vmem>>, vector<1x1x1x1x16xf32>,
      %get3A_426 = vector.shape_cast %get3A_425 : vector<1x1x1x1x16xf32> to vector<16xf32>
      %add3A_427 = arith.constant 4608 : i32
      %add3A_428 = arith.addi %add3A_427, %mul3A_202 : i32
      %add3A_429 = arith.constant 96 : i32
      %add3A_430 = arith.addi %add3A_428, %add3A_429 : i32
      %swap3A_431 = arith.index_cast %add3A_430 : i32 to index
      %swap3A_432 = tpu.vector_load %arg5[%swap3A_431] {strides = array<i32>} : memref<9216xf32, #tpu.memory_space<vmem>>, vector<16xf32>,
      %swap3A_433 = vector.shape_cast %swap3A_432 : vector<16xf32> to vector<16xf32>
      %swap3A_434 = vector.shape_cast %get3A_426 : vector<16xf32> to vector<16xf32>
      tpu.vector_store %arg5[%swap3A_431], %swap3A_434 {strides = array<i32>} : memref<9216xf32, #tpu.memory_space<vmem>>, vector<16xf32>,
      %get3A_435 = arith.constant 1 : i32
      %get3A_436 = arith.constant 1 : i32
      %get3A_437 = arith.constant 6 : i32
      %get3A_438 = arith.index_cast %get3A_435 : i32 to index
      %get3A_439 = arith.index_cast %get3A_436 : i32 to index
      %get3A_440 = arith.index_cast %scan3A_200 : i32 to index
      %get3A_441 = arith.index_cast %get3A_437 : i32 to index
      %get3A_442 = arith.constant 112 : index
      %get3A_443 = tpu.vector_load %arg4[%get3A_438, %get3A_439, %get3A_440, %get3A_441, %get3A_442] {strides = array<i32>} : memref<2x2x12x12x128xf32, #tpu.memory_space<vmem>>, vector<1x1x1x1x16xf32>,
      %get3A_444 = vector.shape_cast %get3A_443 : vector<1x1x1x1x16xf32> to vector<16xf32>
      %add3A_445 = arith.constant 6912 : i32
      %add3A_446 = arith.addi %add3A_445, %mul3A_202 : i32
      %add3A_447 = arith.constant 96 : i32
      %add3A_448 = arith.addi %add3A_446, %add3A_447 : i32
      %swap3A_449 = arith.index_cast %add3A_448 : i32 to index
      %swap3A_450 = tpu.vector_load %arg5[%swap3A_449] {strides = array<i32>} : memref<9216xf32, #tpu.memory_space<vmem>>, vector<16xf32>,
      %swap3A_451 = vector.shape_cast %swap3A_450 : vector<16xf32> to vector<16xf32>
      %swap3A_452 = vector.shape_cast %get3A_444 : vector<16xf32> to vector<16xf32>
      tpu.vector_store %arg5[%swap3A_449], %swap3A_452 {strides = array<i32>} : memref<9216xf32, #tpu.memory_space<vmem>>, vector<16xf32>,
      %get3A_453 = arith.constant 1 : i32
      %get3A_454 = arith.constant 0 : i32
      %get3A_455 = arith.constant 7 : i32
      %get3A_456 = arith.index_cast %get3A_453 : i32 to index
      %get3A_457 = arith.index_cast %get3A_454 : i32 to index
      %get3A_458 = arith.index_cast %scan3A_200 : i32 to index
      %get3A_459 = arith.index_cast %get3A_455 : i32 to index
      %get3A_460 = arith.constant 0 : index
      %get3A_461 = tpu.vector_load %arg4[%get3A_456, %get3A_457, %get3A_458, %get3A_459, %get3A_460] {strides = array<i32>} : memref<2x2x12x12x128xf32, #tpu.memory_space<vmem>>, vector<1x1x1x1x16xf32>,
      %get3A_462 = vector.shape_cast %get3A_461 : vector<1x1x1x1x16xf32> to vector<16xf32>
      %add3A_463 = arith.constant 4608 : i32
      %add3A_464 = arith.addi %add3A_463, %mul3A_202 : i32
      %add3A_465 = arith.constant 112 : i32
      %add3A_466 = arith.addi %add3A_464, %add3A_465 : i32
      %swap3A_467 = arith.index_cast %add3A_466 : i32 to index
      %swap3A_468 = tpu.vector_load %arg5[%swap3A_467] {strides = array<i32>} : memref<9216xf32, #tpu.memory_space<vmem>>, vector<16xf32>,
      %swap3A_469 = vector.shape_cast %swap3A_468 : vector<16xf32> to vector<16xf32>
      %swap3A_470 = vector.shape_cast %get3A_462 : vector<16xf32> to vector<16xf32>
      tpu.vector_store %arg5[%swap3A_467], %swap3A_470 {strides = array<i32>} : memref<9216xf32, #tpu.memory_space<vmem>>, vector<16xf32>,
      %get3A_471 = arith.constant 1 : i32
      %get3A_472 = arith.constant 1 : i32
      %get3A_473 = arith.constant 7 : i32
      %get3A_474 = arith.index_cast %get3A_471 : i32 to index
      %get3A_475 = arith.index_cast %get3A_472 : i32 to index
      %get3A_476 = arith.index_cast %scan3A_200 : i32 to index
      %get3A_477 = arith.index_cast %get3A_473 : i32 to index
      %get3A_478 = arith.constant 112 : index
      %get3A_479 = tpu.vector_load %arg4[%get3A_474, %get3A_475, %get3A_476, %get3A_477, %get3A_478] {strides = array<i32>} : memref<2x2x12x12x128xf32, #tpu.memory_space<vmem>>, vector<1x1x1x1x16xf32>,
      %get3A_480 = vector.shape_cast %get3A_479 : vector<1x1x1x1x16xf32> to vector<16xf32>
      %add3A_481 = arith.constant 6912 : i32
      %add3A_482 = arith.addi %add3A_481, %mul3A_202 : i32
      %add3A_483 = arith.constant 112 : i32
      %add3A_484 = arith.addi %add3A_482, %add3A_483 : i32
      %swap3A_485 = arith.index_cast %add3A_484 : i32 to index
      %swap3A_486 = tpu.vector_load %arg5[%swap3A_485] {strides = array<i32>} : memref<9216xf32, #tpu.memory_space<vmem>>, vector<16xf32>,
      %swap3A_487 = vector.shape_cast %swap3A_486 : vector<16xf32> to vector<16xf32>
      %swap3A_488 = vector.shape_cast %get3A_480 : vector<16xf32> to vector<16xf32>
      tpu.vector_store %arg5[%swap3A_485], %swap3A_488 {strides = array<i32>} : memref<9216xf32, #tpu.memory_space<vmem>>, vector<16xf32>,
      %get3A_489 = arith.constant 1 : i32
      %get3A_490 = arith.constant 0 : i32
      %get3A_491 = arith.constant 8 : i32
      %get3A_492 = arith.index_cast %get3A_489 : i32 to index
      %get3A_493 = arith.index_cast %get3A_490 : i32 to index
      %get3A_494 = arith.index_cast %scan3A_200 : i32 to index
      %get3A_495 = arith.index_cast %get3A_491 : i32 to index
      %get3A_496 = arith.constant 0 : index
      %get3A_497 = tpu.vector_load %arg4[%get3A_492, %get3A_493, %get3A_494, %get3A_495, %get3A_496] {strides = array<i32>} : memref<2x2x12x12x128xf32, #tpu.memory_space<vmem>>, vector<1x1x1x1x16xf32>,
      %get3A_498 = vector.shape_cast %get3A_497 : vector<1x1x1x1x16xf32> to vector<16xf32>
      %add3A_499 = arith.constant 4608 : i32
      %add3A_500 = arith.addi %add3A_499, %mul3A_202 : i32
      %add3A_501 = arith.constant 128 : i32
      %add3A_502 = arith.addi %add3A_500, %add3A_501 : i32
      %swap3A_503 = arith.index_cast %add3A_502 : i32 to index
      %swap3A_504 = tpu.vector_load %arg5[%swap3A_503] {strides = array<i32>} : memref<9216xf32, #tpu.memory_space<vmem>>, vector<16xf32>,
      %swap3A_505 = vector.shape_cast %swap3A_504 : vector<16xf32> to vector<16xf32>
      %swap3A_506 = vector.shape_cast %get3A_498 : vector<16xf32> to vector<16xf32>
      tpu.vector_store %arg5[%swap3A_503], %swap3A_506 {strides = array<i32>} : memref<9216xf32, #tpu.memory_space<vmem>>, vector<16xf32>,
      %get3A_507 = arith.constant 1 : i32
      %get3A_508 = arith.constant 1 : i32
      %get3A_509 = arith.constant 8 : i32
      %get3A_510 = arith.index_cast %get3A_507 : i32 to index
      %get3A_511 = arith.index_cast %get3A_508 : i32 to index
      %get3A_512 = arith.index_cast %scan3A_200 : i32 to index
      %get3A_513 = arith.index_cast %get3A_509 : i32 to index
      %get3A_514 = arith.constant 112 : index
      %get3A_515 = tpu.vector_load %arg4[%get3A_510, %get3A_511, %get3A_512, %get3A_513, %get3A_514] {strides = array<i32>} : memref<2x2x12x12x128xf32, #tpu.memory_space<vmem>>, vector<1x1x1x1x16xf32>,
      %get3A_516 = vector.shape_cast %get3A_515 : vector<1x1x1x1x16xf32> to vector<16xf32>
      %add3A_517 = arith.constant 6912 : i32
      %add3A_518 = arith.addi %add3A_517, %mul3A_202 : i32
      %add3A_519 = arith.constant 128 : i32
      %add3A_520 = arith.addi %add3A_518, %add3A_519 : i32
      %swap3A_521 = arith.index_cast %add3A_520 : i32 to index
      %swap3A_522 = tpu.vector_load %arg5[%swap3A_521] {strides = array<i32>} : memref<9216xf32, #tpu.memory_space<vmem>>, vector<16xf32>,
      %swap3A_523 = vector.shape_cast %swap3A_522 : vector<16xf32> to vector<16xf32>
      %swap3A_524 = vector.shape_cast %get3A_516 : vector<16xf32> to vector<16xf32>
      tpu.vector_store %arg5[%swap3A_521], %swap3A_524 {strides = array<i32>} : memref<9216xf32, #tpu.memory_space<vmem>>, vector<16xf32>,
      %get3A_525 = arith.constant 1 : i32
      %get3A_526 = arith.constant 0 : i32
      %get3A_527 = arith.constant 9 : i32
      %get3A_528 = arith.index_cast %get3A_525 : i32 to index
      %get3A_529 = arith.index_cast %get3A_526 : i32 to index
      %get3A_530 = arith.index_cast %scan3A_200 : i32 to index
      %get3A_531 = arith.index_cast %get3A_527 : i32 to index
      %get3A_532 = arith.constant 0 : index
      %get3A_533 = tpu.vector_load %arg4[%get3A_528, %get3A_529, %get3A_530, %get3A_531, %get3A_532] {strides = array<i32>} : memref<2x2x12x12x128xf32, #tpu.memory_space<vmem>>, vector<1x1x1x1x16xf32>,
      %get3A_534 = vector.shape_cast %get3A_533 : vector<1x1x1x1x16xf32> to vector<16xf32>
      %add3A_535 = arith.constant 4608 : i32
      %add3A_536 = arith.addi %add3A_535, %mul3A_202 : i32
      %add3A_537 = arith.constant 144 : i32
      %add3A_538 = arith.addi %add3A_536, %add3A_537 : i32
      %swap3A_539 = arith.index_cast %add3A_538 : i32 to index
      %swap3A_540 = tpu.vector_load %arg5[%swap3A_539] {strides = array<i32>} : memref<9216xf32, #tpu.memory_space<vmem>>, vector<16xf32>,
      %swap3A_541 = vector.shape_cast %swap3A_540 : vector<16xf32> to vector<16xf32>
      %swap3A_542 = vector.shape_cast %get3A_534 : vector<16xf32> to vector<16xf32>
      tpu.vector_store %arg5[%swap3A_539], %swap3A_542 {strides = array<i32>} : memref<9216xf32, #tpu.memory_space<vmem>>, vector<16xf32>,
      %get3A_543 = arith.constant 1 : i32
      %get3A_544 = arith.constant 1 : i32
      %get3A_545 = arith.constant 9 : i32
      %get3A_546 = arith.index_cast %get3A_543 : i32 to index
      %get3A_547 = arith.index_cast %get3A_544 : i32 to index
      %get3A_548 = arith.index_cast %scan3A_200 : i32 to index
      %get3A_549 = arith.index_cast %get3A_545 : i32 to index
      %get3A_550 = arith.constant 112 : index
      %get3A_551 = tpu.vector_load %arg4[%get3A_546, %get3A_547, %get3A_548, %get3A_549, %get3A_550] {strides = array<i32>} : memref<2x2x12x12x128xf32, #tpu.memory_space<vmem>>, vector<1x1x1x1x16xf32>,
      %get3A_552 = vector.shape_cast %get3A_551 : vector<1x1x1x1x16xf32> to vector<16xf32>
      %add3A_553 = arith.constant 6912 : i32
      %add3A_554 = arith.addi %add3A_553, %mul3A_202 : i32
      %add3A_555 = arith.constant 144 : i32
      %add3A_556 = arith.addi %add3A_554, %add3A_555 : i32
      %swap3A_557 = arith.index_cast %add3A_556 : i32 to index
      %swap3A_558 = tpu.vector_load %arg5[%swap3A_557] {strides = array<i32>} : memref<9216xf32, #tpu.memory_space<vmem>>, vector<16xf32>,
      %swap3A_559 = vector.shape_cast %swap3A_558 : vector<16xf32> to vector<16xf32>
      %swap3A_560 = vector.shape_cast %get3A_552 : vector<16xf32> to vector<16xf32>
      tpu.vector_store %arg5[%swap3A_557], %swap3A_560 {strides = array<i32>} : memref<9216xf32, #tpu.memory_space<vmem>>, vector<16xf32>,
      %get3A_561 = arith.constant 1 : i32
      %get3A_562 = arith.constant 0 : i32
      %get3A_563 = arith.constant 10 : i32
      %get3A_564 = arith.index_cast %get3A_561 : i32 to index
      %get3A_565 = arith.index_cast %get3A_562 : i32 to index
      %get3A_566 = arith.index_cast %scan3A_200 : i32 to index
      %get3A_567 = arith.index_cast %get3A_563 : i32 to index
      %get3A_568 = arith.constant 0 : index
      %get3A_569 = tpu.vector_load %arg4[%get3A_564, %get3A_565, %get3A_566, %get3A_567, %get3A_568] {strides = array<i32>} : memref<2x2x12x12x128xf32, #tpu.memory_space<vmem>>, vector<1x1x1x1x16xf32>,
      %get3A_570 = vector.shape_cast %get3A_569 : vector<1x1x1x1x16xf32> to vector<16xf32>
      %add3A_571 = arith.constant 4608 : i32
      %add3A_572 = arith.addi %add3A_571, %mul3A_202 : i32
      %add3A_573 = arith.constant 160 : i32
      %add3A_574 = arith.addi %add3A_572, %add3A_573 : i32
      %swap3A_575 = arith.index_cast %add3A_574 : i32 to index
      %swap3A_576 = tpu.vector_load %arg5[%swap3A_575] {strides = array<i32>} : memref<9216xf32, #tpu.memory_space<vmem>>, vector<16xf32>,
      %swap3A_577 = vector.shape_cast %swap3A_576 : vector<16xf32> to vector<16xf32>
      %swap3A_578 = vector.shape_cast %get3A_570 : vector<16xf32> to vector<16xf32>
      tpu.vector_store %arg5[%swap3A_575], %swap3A_578 {strides = array<i32>} : memref<9216xf32, #tpu.memory_space<vmem>>, vector<16xf32>,
      %get3A_579 = arith.constant 1 : i32
      %get3A_580 = arith.constant 1 : i32
      %get3A_581 = arith.constant 10 : i32
      %get3A_582 = arith.index_cast %get3A_579 : i32 to index
      %get3A_583 = arith.index_cast %get3A_580 : i32 to index
      %get3A_584 = arith.index_cast %scan3A_200 : i32 to index
      %get3A_585 = arith.index_cast %get3A_581 : i32 to index
      %get3A_586 = arith.constant 112 : index
      %get3A_587 = tpu.vector_load %arg4[%get3A_582, %get3A_583, %get3A_584, %get3A_585, %get3A_586] {strides = array<i32>} : memref<2x2x12x12x128xf32, #tpu.memory_space<vmem>>, vector<1x1x1x1x16xf32>,
      %get3A_588 = vector.shape_cast %get3A_587 : vector<1x1x1x1x16xf32> to vector<16xf32>
      %add3A_589 = arith.constant 6912 : i32
      %add3A_590 = arith.addi %add3A_589, %mul3A_202 : i32
      %add3A_591 = arith.constant 160 : i32
      %add3A_592 = arith.addi %add3A_590, %add3A_591 : i32
      %swap3A_593 = arith.index_cast %add3A_592 : i32 to index
      %swap3A_594 = tpu.vector_load %arg5[%swap3A_593] {strides = array<i32>} : memref<9216xf32, #tpu.memory_space<vmem>>, vector<16xf32>,
      %swap3A_595 = vector.shape_cast %swap3A_594 : vector<16xf32> to vector<16xf32>
      %swap3A_596 = vector.shape_cast %get3A_588 : vector<16xf32> to vector<16xf32>
      tpu.vector_store %arg5[%swap3A_593], %swap3A_596 {strides = array<i32>} : memref<9216xf32, #tpu.memory_space<vmem>>, vector<16xf32>,
      %get3A_597 = arith.constant 1 : i32
      %get3A_598 = arith.constant 0 : i32
      %get3A_599 = arith.constant 11 : i32
      %get3A_600 = arith.index_cast %get3A_597 : i32 to index
      %get3A_601 = arith.index_cast %get3A_598 : i32 to index
      %get3A_602 = arith.index_cast %scan3A_200 : i32 to index
      %get3A_603 = arith.index_cast %get3A_599 : i32 to index
      %get3A_604 = arith.constant 0 : index
      %get3A_605 = tpu.vector_load %arg4[%get3A_600, %get3A_601, %get3A_602, %get3A_603, %get3A_604] {strides = array<i32>} : memref<2x2x12x12x128xf32, #tpu.memory_space<vmem>>, vector<1x1x1x1x16xf32>,
      %get3A_606 = vector.shape_cast %get3A_605 : vector<1x1x1x1x16xf32> to vector<16xf32>
      %add3A_607 = arith.constant 4608 : i32
      %add3A_608 = arith.addi %add3A_607, %mul3A_202 : i32
      %add3A_609 = arith.constant 176 : i32
      %add3A_610 = arith.addi %add3A_608, %add3A_609 : i32
      %swap3A_611 = arith.index_cast %add3A_610 : i32 to index
      %swap3A_612 = tpu.vector_load %arg5[%swap3A_611] {strides = array<i32>} : memref<9216xf32, #tpu.memory_space<vmem>>, vector<16xf32>,
      %swap3A_613 = vector.shape_cast %swap3A_612 : vector<16xf32> to vector<16xf32>
      %swap3A_614 = vector.shape_cast %get3A_606 : vector<16xf32> to vector<16xf32>
      tpu.vector_store %arg5[%swap3A_611], %swap3A_614 {strides = array<i32>} : memref<9216xf32, #tpu.memory_space<vmem>>, vector<16xf32>,
      %get3A_615 = arith.constant 1 : i32
      %get3A_616 = arith.constant 1 : i32
      %get3A_617 = arith.constant 11 : i32
      %get3A_618 = arith.index_cast %get3A_615 : i32 to index
      %get3A_619 = arith.index_cast %get3A_616 : i32 to index
      %get3A_620 = arith.index_cast %scan3A_200 : i32 to index
      %get3A_621 = arith.index_cast %get3A_617 : i32 to index
      %get3A_622 = arith.constant 112 : index
      %get3A_623 = tpu.vector_load %arg4[%get3A_618, %get3A_619, %get3A_620, %get3A_621, %get3A_622] {strides = array<i32>} : memref<2x2x12x12x128xf32, #tpu.memory_space<vmem>>, vector<1x1x1x1x16xf32>,
      %get3A_624 = vector.shape_cast %get3A_623 : vector<1x1x1x1x16xf32> to vector<16xf32>
      %add3A_625 = arith.constant 6912 : i32
      %add3A_626 = arith.addi %add3A_625, %mul3A_202 : i32
      %add3A_627 = arith.constant 176 : i32
      %add3A_628 = arith.addi %add3A_626, %add3A_627 : i32
      %swap3A_629 = arith.index_cast %add3A_628 : i32 to index
      %swap3A_630 = tpu.vector_load %arg5[%swap3A_629] {strides = array<i32>} : memref<9216xf32, #tpu.memory_space<vmem>>, vector<16xf32>,
      %swap3A_631 = vector.shape_cast %swap3A_630 : vector<16xf32> to vector<16xf32>
      %swap3A_632 = vector.shape_cast %get3A_624 : vector<16xf32> to vector<16xf32>
      tpu.vector_store %arg5[%swap3A_629], %swap3A_632 {strides = array<i32>} : memref<9216xf32, #tpu.memory_space<vmem>>, vector<16xf32>,
    }
    %scan3A_197 = arith.constant 12 : i32
    %add3A_198 = arith.constant 1 : i32
    %add3A_199 = arith.addi %mul3A_2, %add3A_198 : i32
    "tpu.region"() ({
      %run_scoped3A = tpu.sem_alloc : memref<!tpu.dma_semaphore, #tpu.memory_space<semaphore_mem>>
      %dma_start3A_200 = arith.constant 4608 : i32
      %dma_start3A_201 = tpu.memref_slice %arg5[%dma_start3A_200] : memref<9216xf32, #tpu.memory_space<vmem>> -> memref<4608xf32, #tpu.memory_space<vmem>>
      %dma_start3A_202 = arith.constant 0 : i32
      %dma_start3A_203 = tpu.memref_slice %arg3[%add3A_199, %dma_start3A_202] : memref<64x4608xf32, #tpu.memory_space<hbm>> -> memref<1x4608xf32, #tpu.memory_space<hbm>>
      %dma_start3A_204 = tpu.memref_squeeze %dma_start3A_203 : memref<1x4608xf32, #tpu.memory_space<hbm>> -> memref<4608xf32, #tpu.memory_space<hbm>>
      %dma_start3A_205 = arith.constant 0 : i32
      %dma_start3A_206 = tpu.memref_slice %arg3[%add3A_199, %dma_start3A_205] : memref<64x4608xf32, #tpu.memory_space<hbm>> -> memref<1x4608xf32, #tpu.memory_space<hbm>>
      %dma_start3A_207 = tpu.memref_squeeze %dma_start3A_206 : memref<1x4608xf32, #tpu.memory_space<hbm>> -> memref<4608xf32, #tpu.memory_space<hbm>>
      %dma_start3A_208 = arith.constant 4608 : i32
      %dma_start3A_209 = tpu.memref_slice %arg5[%dma_start3A_208] : memref<9216xf32, #tpu.memory_space<vmem>> -> memref<4608xf32, #tpu.memory_space<vmem>>
      tpu.enqueue_dma source(%dma_start3A_209 : memref<4608xf32, #tpu.memory_space<vmem>>) target(%dma_start3A_207 : memref<4608xf32, #tpu.memory_space<hbm>>) target_semaphore(%run_scoped3A : memref<!tpu.dma_semaphore, #tpu.memory_space<semaphore_mem>>)
      %dma_wait3A_210 = arith.constant 4608 : i32
      %dma_wait3A_211 = tpu.memref_slice %arg5[%dma_wait3A_210] : memref<9216xf32, #tpu.memory_space<vmem>> -> memref<4608xf32, #tpu.memory_space<vmem>>
      %dma_wait3A_212 = arith.constant 0 : i32
      %dma_wait3A_213 = tpu.memref_slice %arg3[%add3A_199, %dma_wait3A_212] : memref<64x4608xf32, #tpu.memory_space<hbm>> -> memref<1x4608xf32, #tpu.memory_space<hbm>>
      %dma_wait3A_214 = tpu.memref_squeeze %dma_wait3A_213 : memref<1x4608xf32, #tpu.memory_space<hbm>> -> memref<4608xf32, #tpu.memory_space<hbm>>
      %dma_wait3A_215 = arith.constant 0 : i32
      %dma_wait3A_216 = tpu.memref_slice %arg3[%add3A_199, %dma_wait3A_215] : memref<64x4608xf32, #tpu.memory_space<hbm>> -> memref<1x4608xf32, #tpu.memory_space<hbm>>
      %dma_wait3A_217 = tpu.memref_squeeze %dma_wait3A_216 : memref<1x4608xf32, #tpu.memory_space<hbm>> -> memref<4608xf32, #tpu.memory_space<hbm>>
      %dma_wait3A_218 = arith.constant 4608 : i32
      %dma_wait3A_219 = tpu.memref_slice %arg5[%dma_wait3A_218] : memref<9216xf32, #tpu.memory_space<vmem>> -> memref<4608xf32, #tpu.memory_space<vmem>>
      tpu.wait_dma2 semaphore(%run_scoped3A : memref<!tpu.dma_semaphore, #tpu.memory_space<semaphore_mem>>) src(%dma_wait3A_219 : memref<4608xf32, #tpu.memory_space<vmem>>) dst(%dma_wait3A_217 : memref<4608xf32, #tpu.memory_space<hbm>>)
      tpu.yield
    }) : () -> ()
    return
  }
}

module attributes {stable_mosaic.version = 14 : i64} {
  func.func @_srp_tc_body(%arg0: memref<64x4608xf32, #tpu.memory_space<vmem>>, %arg1: memref<144x2048xi32, #tpu.memory_space<vmem>>, %arg2: memref<64x32x64xf32, #tpu.memory_space<vmem>>, %arg3: memref<64x2048xf32, #tpu.memory_space<vmem>>) attributes {dimension_semantics = [], scalar_prefetch = 0 : i64, scratch_operands = 1 : i64, tpu.core_type = #tpu.core_type<tc>} {
    %get3A = arith.constant 0 : index
    %get3A_0 = arith.constant 0 : index
    %get3A_1 = vector.load %arg0[%get3A, %get3A_0] : memref<64x4608xf32, #tpu.memory_space<vmem>>, vector<64x4608xf32>
    %get3A_2 = arith.constant 0 : index
    %get3A_3 = arith.constant 0 : index
    %get3A_4 = vector.load %arg1[%get3A_2, %get3A_3] : memref<144x2048xi32, #tpu.memory_space<vmem>>, vector<144x2048xi32>
    %slice3A = vector.extract_strided_slice %get3A_4 {offsets = [0, 0], sizes = [144, 512], strides = [1, 1]} : vector<144x2048xi32> to vector<144x512xi32>
    %iota3A = tpu.iota {dimensions = array<i32: 1>} : vector<144x16x512xi32>
    %broadcast_in_dim3A = vector.shape_cast %slice3A : vector<144x512xi32> to vector<144x1x512xi32>
    %eq3A = vector.broadcast %broadcast_in_dim3A : vector<144x1x512xi32> to vector<144x16x512xi32>
    %eq3A_5 = arith.cmpi eq, %iota3A, %eq3A : vector<144x16x512xi32>
    %jit3A = arith.constant 1.000000e+00 : f32
    %jit3A_6 = arith.constant 0.000000e+00 : f32
    %broadcast_in_dim3A_7 = vector.broadcast %jit3A : f32 to vector<144x16x512xf32>
    %broadcast_in_dim3A_8 = vector.broadcast %jit3A_6 : f32 to vector<144x16x512xf32>
    %select_n3A = arith.select %eq3A_5, %broadcast_in_dim3A_7, %broadcast_in_dim3A_8 : vector<144x16x512xi1>, vector<144x16x512xf32>
    %broadcast_in_dim3A_9 = vector.shape_cast %slice3A : vector<144x512xi32> to vector<144x1x512xi32>
    %sub3A = arith.constant 4080 : i32
    %sub3A_10 = vector.broadcast %sub3A : i32 to vector<144x1x512xi32>
    %sub3A_11 = arith.subi %broadcast_in_dim3A_9, %sub3A_10 : vector<144x1x512xi32>
    %eq3A_12 = vector.broadcast %sub3A_11 : vector<144x1x512xi32> to vector<144x16x512xi32>
    %eq3A_13 = arith.cmpi eq, %iota3A, %eq3A_12 : vector<144x16x512xi32>
    %jit3A_14 = arith.constant 1.000000e+00 : f32
    %jit3A_15 = arith.constant 0.000000e+00 : f32
    %broadcast_in_dim3A_16 = vector.broadcast %jit3A_14 : f32 to vector<144x16x512xf32>
    %broadcast_in_dim3A_17 = vector.broadcast %jit3A_15 : f32 to vector<144x16x512xf32>
    %select_n3A_18 = arith.select %eq3A_13, %broadcast_in_dim3A_16, %broadcast_in_dim3A_17 : vector<144x16x512xi1>, vector<144x16x512xf32>
    %reshape3A = vector.shape_cast %select_n3A : vector<144x16x512xf32> to vector<2304x512xf32>
    %reshape3A_19 = vector.shape_cast %select_n3A_18 : vector<144x16x512xf32> to vector<2304x512xf32>
    %concatenate3A = tpu.concatenate %reshape3A, %reshape3A_19 in 0 : vector<2304x512xf32>, vector<2304x512xf32> -> vector<4608x512xf32>
    %dot_general3A = arith.constant dense<0.000000e+00> : vector<64x512xf32>
    %dot_general3A_20 = tpu.matmul %get3A_1, %concatenate3A, %dot_general3A {dimension_numbers = #tpu.dot_dimension_numbers<[1], [0], [0], [1], [0, 0, 1, 1], [], []>, transpose_lhs_hint = false} : vector<64x4608xf32>, vector<4608x512xf32>, vector<64x512xf32> -> vector<64x512xf32>
    %swap3A = arith.constant 0 : index
    %swap3A_21 = arith.constant 0 : index
    %swap3A_22 = vector.load %arg3[%swap3A, %swap3A_21] : memref<64x2048xf32, #tpu.memory_space<vmem>>, vector<64x512xf32>
    tpu.vector_store %arg3[%swap3A, %swap3A_21], %dot_general3A_20 {strides = array<i32>} : memref<64x2048xf32, #tpu.memory_space<vmem>>, vector<64x512xf32>,
    %slice3A_23 = vector.extract_strided_slice %get3A_4 {offsets = [0, 512], sizes = [144, 512], strides = [1, 1]} : vector<144x2048xi32> to vector<144x512xi32>
    %iota3A_24 = tpu.iota {dimensions = array<i32: 1>} : vector<144x16x512xi32>
    %broadcast_in_dim3A_25 = vector.shape_cast %slice3A_23 : vector<144x512xi32> to vector<144x1x512xi32>
    %eq3A_26 = vector.broadcast %broadcast_in_dim3A_25 : vector<144x1x512xi32> to vector<144x16x512xi32>
    %eq3A_27 = arith.cmpi eq, %iota3A_24, %eq3A_26 : vector<144x16x512xi32>
    %jit3A_28 = arith.constant 1.000000e+00 : f32
    %jit3A_29 = arith.constant 0.000000e+00 : f32
    %broadcast_in_dim3A_30 = vector.broadcast %jit3A_28 : f32 to vector<144x16x512xf32>
    %broadcast_in_dim3A_31 = vector.broadcast %jit3A_29 : f32 to vector<144x16x512xf32>
    %select_n3A_32 = arith.select %eq3A_27, %broadcast_in_dim3A_30, %broadcast_in_dim3A_31 : vector<144x16x512xi1>, vector<144x16x512xf32>
    %broadcast_in_dim3A_33 = vector.shape_cast %slice3A_23 : vector<144x512xi32> to vector<144x1x512xi32>
    %sub3A_34 = arith.constant 4080 : i32
    %sub3A_35 = vector.broadcast %sub3A_34 : i32 to vector<144x1x512xi32>
    %sub3A_36 = arith.subi %broadcast_in_dim3A_33, %sub3A_35 : vector<144x1x512xi32>
    %eq3A_37 = vector.broadcast %sub3A_36 : vector<144x1x512xi32> to vector<144x16x512xi32>
    %eq3A_38 = arith.cmpi eq, %iota3A_24, %eq3A_37 : vector<144x16x512xi32>
    %jit3A_39 = arith.constant 1.000000e+00 : f32
    %jit3A_40 = arith.constant 0.000000e+00 : f32
    %broadcast_in_dim3A_41 = vector.broadcast %jit3A_39 : f32 to vector<144x16x512xf32>
    %broadcast_in_dim3A_42 = vector.broadcast %jit3A_40 : f32 to vector<144x16x512xf32>
    %select_n3A_43 = arith.select %eq3A_38, %broadcast_in_dim3A_41, %broadcast_in_dim3A_42 : vector<144x16x512xi1>, vector<144x16x512xf32>
    %reshape3A_44 = vector.shape_cast %select_n3A_32 : vector<144x16x512xf32> to vector<2304x512xf32>
    %reshape3A_45 = vector.shape_cast %select_n3A_43 : vector<144x16x512xf32> to vector<2304x512xf32>
    %concatenate3A_46 = tpu.concatenate %reshape3A_44, %reshape3A_45 in 0 : vector<2304x512xf32>, vector<2304x512xf32> -> vector<4608x512xf32>
    %dot_general3A_47 = arith.constant dense<0.000000e+00> : vector<64x512xf32>
    %dot_general3A_48 = tpu.matmul %get3A_1, %concatenate3A_46, %dot_general3A_47 {dimension_numbers = #tpu.dot_dimension_numbers<[1], [0], [0], [1], [0, 0, 1, 1], [], []>, transpose_lhs_hint = false} : vector<64x4608xf32>, vector<4608x512xf32>, vector<64x512xf32> -> vector<64x512xf32>
    %swap3A_49 = arith.constant 0 : index
    %swap3A_50 = arith.constant 512 : index
    %swap3A_51 = vector.load %arg3[%swap3A_49, %swap3A_50] : memref<64x2048xf32, #tpu.memory_space<vmem>>, vector<64x512xf32>
    tpu.vector_store %arg3[%swap3A_49, %swap3A_50], %dot_general3A_48 {strides = array<i32>} : memref<64x2048xf32, #tpu.memory_space<vmem>>, vector<64x512xf32>,
    %slice3A_52 = vector.extract_strided_slice %get3A_4 {offsets = [0, 1024], sizes = [144, 512], strides = [1, 1]} : vector<144x2048xi32> to vector<144x512xi32>
    %iota3A_53 = tpu.iota {dimensions = array<i32: 1>} : vector<144x16x512xi32>
    %broadcast_in_dim3A_54 = vector.shape_cast %slice3A_52 : vector<144x512xi32> to vector<144x1x512xi32>
    %eq3A_55 = vector.broadcast %broadcast_in_dim3A_54 : vector<144x1x512xi32> to vector<144x16x512xi32>
    %eq3A_56 = arith.cmpi eq, %iota3A_53, %eq3A_55 : vector<144x16x512xi32>
    %jit3A_57 = arith.constant 1.000000e+00 : f32
    %jit3A_58 = arith.constant 0.000000e+00 : f32
    %broadcast_in_dim3A_59 = vector.broadcast %jit3A_57 : f32 to vector<144x16x512xf32>
    %broadcast_in_dim3A_60 = vector.broadcast %jit3A_58 : f32 to vector<144x16x512xf32>
    %select_n3A_61 = arith.select %eq3A_56, %broadcast_in_dim3A_59, %broadcast_in_dim3A_60 : vector<144x16x512xi1>, vector<144x16x512xf32>
    %broadcast_in_dim3A_62 = vector.shape_cast %slice3A_52 : vector<144x512xi32> to vector<144x1x512xi32>
    %sub3A_63 = arith.constant 4080 : i32
    %sub3A_64 = vector.broadcast %sub3A_63 : i32 to vector<144x1x512xi32>
    %sub3A_65 = arith.subi %broadcast_in_dim3A_62, %sub3A_64 : vector<144x1x512xi32>
    %eq3A_66 = vector.broadcast %sub3A_65 : vector<144x1x512xi32> to vector<144x16x512xi32>
    %eq3A_67 = arith.cmpi eq, %iota3A_53, %eq3A_66 : vector<144x16x512xi32>
    %jit3A_68 = arith.constant 1.000000e+00 : f32
    %jit3A_69 = arith.constant 0.000000e+00 : f32
    %broadcast_in_dim3A_70 = vector.broadcast %jit3A_68 : f32 to vector<144x16x512xf32>
    %broadcast_in_dim3A_71 = vector.broadcast %jit3A_69 : f32 to vector<144x16x512xf32>
    %select_n3A_72 = arith.select %eq3A_67, %broadcast_in_dim3A_70, %broadcast_in_dim3A_71 : vector<144x16x512xi1>, vector<144x16x512xf32>
    %reshape3A_73 = vector.shape_cast %select_n3A_61 : vector<144x16x512xf32> to vector<2304x512xf32>
    %reshape3A_74 = vector.shape_cast %select_n3A_72 : vector<144x16x512xf32> to vector<2304x512xf32>
    %concatenate3A_75 = tpu.concatenate %reshape3A_73, %reshape3A_74 in 0 : vector<2304x512xf32>, vector<2304x512xf32> -> vector<4608x512xf32>
    %dot_general3A_76 = arith.constant dense<0.000000e+00> : vector<64x512xf32>
    %dot_general3A_77 = tpu.matmul %get3A_1, %concatenate3A_75, %dot_general3A_76 {dimension_numbers = #tpu.dot_dimension_numbers<[1], [0], [0], [1], [0, 0, 1, 1], [], []>, transpose_lhs_hint = false} : vector<64x4608xf32>, vector<4608x512xf32>, vector<64x512xf32> -> vector<64x512xf32>
    %swap3A_78 = arith.constant 0 : index
    %swap3A_79 = arith.constant 1024 : index
    %swap3A_80 = vector.load %arg3[%swap3A_78, %swap3A_79] : memref<64x2048xf32, #tpu.memory_space<vmem>>, vector<64x512xf32>
    tpu.vector_store %arg3[%swap3A_78, %swap3A_79], %dot_general3A_77 {strides = array<i32>} : memref<64x2048xf32, #tpu.memory_space<vmem>>, vector<64x512xf32>,
    %slice3A_81 = vector.extract_strided_slice %get3A_4 {offsets = [0, 1536], sizes = [144, 512], strides = [1, 1]} : vector<144x2048xi32> to vector<144x512xi32>
    %iota3A_82 = tpu.iota {dimensions = array<i32: 1>} : vector<144x16x512xi32>
    %broadcast_in_dim3A_83 = vector.shape_cast %slice3A_81 : vector<144x512xi32> to vector<144x1x512xi32>
    %eq3A_84 = vector.broadcast %broadcast_in_dim3A_83 : vector<144x1x512xi32> to vector<144x16x512xi32>
    %eq3A_85 = arith.cmpi eq, %iota3A_82, %eq3A_84 : vector<144x16x512xi32>
    %jit3A_86 = arith.constant 1.000000e+00 : f32
    %jit3A_87 = arith.constant 0.000000e+00 : f32
    %broadcast_in_dim3A_88 = vector.broadcast %jit3A_86 : f32 to vector<144x16x512xf32>
    %broadcast_in_dim3A_89 = vector.broadcast %jit3A_87 : f32 to vector<144x16x512xf32>
    %select_n3A_90 = arith.select %eq3A_85, %broadcast_in_dim3A_88, %broadcast_in_dim3A_89 : vector<144x16x512xi1>, vector<144x16x512xf32>
    %broadcast_in_dim3A_91 = vector.shape_cast %slice3A_81 : vector<144x512xi32> to vector<144x1x512xi32>
    %sub3A_92 = arith.constant 4080 : i32
    %sub3A_93 = vector.broadcast %sub3A_92 : i32 to vector<144x1x512xi32>
    %sub3A_94 = arith.subi %broadcast_in_dim3A_91, %sub3A_93 : vector<144x1x512xi32>
    %eq3A_95 = vector.broadcast %sub3A_94 : vector<144x1x512xi32> to vector<144x16x512xi32>
    %eq3A_96 = arith.cmpi eq, %iota3A_82, %eq3A_95 : vector<144x16x512xi32>
    %jit3A_97 = arith.constant 1.000000e+00 : f32
    %jit3A_98 = arith.constant 0.000000e+00 : f32
    %broadcast_in_dim3A_99 = vector.broadcast %jit3A_97 : f32 to vector<144x16x512xf32>
    %broadcast_in_dim3A_100 = vector.broadcast %jit3A_98 : f32 to vector<144x16x512xf32>
    %select_n3A_101 = arith.select %eq3A_96, %broadcast_in_dim3A_99, %broadcast_in_dim3A_100 : vector<144x16x512xi1>, vector<144x16x512xf32>
    %reshape3A_102 = vector.shape_cast %select_n3A_90 : vector<144x16x512xf32> to vector<2304x512xf32>
    %reshape3A_103 = vector.shape_cast %select_n3A_101 : vector<144x16x512xf32> to vector<2304x512xf32>
    %concatenate3A_104 = tpu.concatenate %reshape3A_102, %reshape3A_103 in 0 : vector<2304x512xf32>, vector<2304x512xf32> -> vector<4608x512xf32>
    %dot_general3A_105 = arith.constant dense<0.000000e+00> : vector<64x512xf32>
    %dot_general3A_106 = tpu.matmul %get3A_1, %concatenate3A_104, %dot_general3A_105 {dimension_numbers = #tpu.dot_dimension_numbers<[1], [0], [0], [1], [0, 0, 1, 1], [], []>, transpose_lhs_hint = false} : vector<64x4608xf32>, vector<4608x512xf32>, vector<64x512xf32> -> vector<64x512xf32>
    %swap3A_107 = arith.constant 0 : index
    %swap3A_108 = arith.constant 1536 : index
    %swap3A_109 = vector.load %arg3[%swap3A_107, %swap3A_108] : memref<64x2048xf32, #tpu.memory_space<vmem>>, vector<64x512xf32>
    tpu.vector_store %arg3[%swap3A_107, %swap3A_108], %dot_general3A_106 {strides = array<i32>} : memref<64x2048xf32, #tpu.memory_space<vmem>>, vector<64x512xf32>,
    %get3A_110 = arith.constant 0 : index
    %get3A_111 = arith.constant 0 : index
    %get3A_112 = vector.load %arg3[%get3A_110, %get3A_111] : memref<64x2048xf32, #tpu.memory_space<vmem>>, vector<64x2048xf32>
    %reduce_sum3A = arith.constant dense<0.000000e+00> : vector<64xf32>
    %reduce_sum3A_113 = vector.multi_reduction <add>, %get3A_112, %reduce_sum3A [1] : vector<64x2048xf32> to vector<64xf32>
    %broadcast_in_dim3A_114 = vector.shape_cast %reduce_sum3A_113 : vector<64xf32> to vector<64x1xf32>
    %div3A = arith.constant 2.048000e+03 : f32
    %div3A_115 = vector.broadcast %div3A : f32 to vector<64x1xf32>
    %div3A_116 = arith.divf %broadcast_in_dim3A_114, %div3A_115 : vector<64x1xf32>
    %sub3A_117 = vector.broadcast %div3A_116 : vector<64x1xf32> to vector<64x2048xf32>
    %sub3A_118 = arith.subf %get3A_112, %sub3A_117 : vector<64x2048xf32>
    %add3A = arith.constant 9.99999996E-13 : f32
    %add3A_119 = vector.broadcast %add3A : f32 to vector<64x2048xf32>
    %add3A_120 = arith.addf %sub3A_118, %add3A_119 : vector<64x2048xf32>
    %reduce_max3A = arith.constant dense<0xFF800000> : vector<64xf32>
    %reduce_max3A_121 = vector.multi_reduction <maximumf>, %add3A_120, %reduce_max3A [1] : vector<64x2048xf32> to vector<64xf32>
    %broadcast_in_dim3A_122 = vector.shape_cast %reduce_max3A_121 : vector<64xf32> to vector<64x1xf32>
    %div3A_123 = vector.broadcast %broadcast_in_dim3A_122 : vector<64x1xf32> to vector<64x2048xf32>
    %div3A_124 = arith.divf %add3A_120, %div3A_123 : vector<64x2048xf32>
    %reshape3A_125 = vector.shape_cast %div3A_124 : vector<64x2048xf32> to vector<64x32x64xf32>
    %swap3A_126 = arith.constant 0 : index
    %swap3A_127 = arith.constant 0 : index
    %swap3A_128 = arith.constant 0 : index
    %swap3A_129 = vector.load %arg2[%swap3A_126, %swap3A_127, %swap3A_128] : memref<64x32x64xf32, #tpu.memory_space<vmem>>, vector<64x32x64xf32>
    tpu.vector_store %arg2[%swap3A_126, %swap3A_127, %swap3A_128], %reshape3A_125 {strides = array<i32>} : memref<64x32x64xf32, #tpu.memory_space<vmem>>, vector<64x32x64xf32>,
    return
  }
}

</mosaic_0001>

<sc_bundles>
// kernel: kernel.4.cloned.1.call-start
scs
__scs_entry_jumppad:
0x0: {  	(pc) =	sbr.rel $0x88, $3  }
0x1: {  	(tag) =	ssettag $0x0;
	lr =	simm.s32 $0x1  }
0x2: {  	[smem:$0x3F9F] =	sst lr;
	_ =	strace $0xD0000000  }
0x3: {  	_ = 	snop  }
0x4: {  	_ = 	snop  }
0x5: {  	_ = 	snop  }
0x6: {  	_ = 	snop  }
0x7: {  	_ = 	snop  }
__scs_overlays_trampoline_lowered:
0x8: {  	[smem:$0x3FAE] =	sst s0  }
0x9: {  	[smem:$0x3FAF] =	sst s1  }
0xa: {  	[smem:$0x3FB0] =	sst s2  }
0xb: {  	[smem:$0x3FB1] =	sst s3  }
0xc: {  	[smem:$0x3FB2] =	sst s4  }
0xd: {  	[smem:$0x3FB3] =	sst s5  }
0xe: {  	[smem:$0x3FB4] =	sst s6  }
0xf: {  	[smem:$0x3FB5] =	sst s7  }
0x10: {  	[smem:$0x3FB6] =	sst s8  }
0x11: {  	[smem:$0x3FB7] =	sst s9;
	s0 =	simm.s32 @!p0 $0x0  }
0x12: {  	s1 =	sld [smem:$0x3F9D];
	s0 =	simm.s32 @p0 $0x1  }
0x13: {  	[smem:$0x3FB8] =	sst s0;
	s0 =	simm.s32 @!p1 $0x0  }
0x14: {  	s2 =	sld [smem:$0x3F9C];
	s0 =	simm.s32 @p1 $0x1  }
0x15: {  	[smem:$0x3FB9] =	sst s0;
	s0 =	simm.s32 @!p2 $0x0  }
0x16: {  	s3 =	sld [smem:$0x3FDB];
	s0 =	simm.s32 @p2 $0x1  }
0x17: {  	s4 =	simm.s32 $0x1BF5;
	[smem:$0x3FBB] =	sst s0  }
0x18: {  	s0 =	sld [smem:$0x3F9E];
	_ =	swait.ge [sflag:s4], $0x0  }
0x19: {  	s7 =	sld [smem:$0x3F9F]  }
0x1a: {  	s8 =	sadd.s32 $0xFFFFE003, lr  }
0x1b: {  	s9 =	sadd.s32 $0xFFFFFEF7, lr;
	s5 =	simm.s32 $0xFFFFFFFF;
	p2 =	slt.u32 s8, $0xFFFFF086  }
0x1c: {  	p1 =	slt.u32 s9, $0xF7A;
	s5 =	simm.s32 @!p2 $0x0  }
0x1d: {  	s5 =	simm.s32 @p1 $0x1;
	p0 =	seq.s32 s7, s2  }
0x1e: {  	s7 =	smul.u32 @!p0 $0xF7A, s2;
	p2 =	seq.s32 @!p0 s5, $0x0  }
0x1f: {  	s9 =	smul.u32 $0xF7A, s1;
	s8 =	simm.s32 @!p0 $0x1BF5;
	p2 =	por !p2, p0  }
0x20: {  	[sflag:s8] =	ssyncset.s32 @!p0 $0xFFFFF086;
	s6 =	sadd.s32 @!p0 s3, s7;
	s7 =	simm.s32 @!p0 $0x108  }
0x21: {  	s3 =	sadd.s32 s3, s9;
	s6 =	sadd.s32 @!p0 $0x88, s6;
	s7 =	simm.s32 @p2 $0x1082  }
0x22: {  	[simem:s7], [sflag:s8] =	dma.local @!p0 [hbm:s6], $0xF7A  }
0x23: {  	s9 =	sor.u32 $0xD0000000, s2;
	s6 =	simm.s32 $0x108;
	_ =	swait.ge @!p0 [sflag:s8], $0x0  }
0x24: {  	s3 =	sadd.s32 $0x88, s3;
	s6 =	simm.s32 @!p1 $0x1082;
	[sflag:s4] =	ssyncset.s32 $0xFFFFF086  }
0x25: {  	[simem:s6], [sflag:s4] =	dma.local [hbm:s3], $0xF7A  }
0x26: {  	[smem:$0x3F9F] =	sst s1;
	(tag) =	ssettag s2;
	_ =	strace s9  }
0x27: {  	s1 =	sld [smem:$0x3FAF]  }
0x28: {  	s2 =	sld [smem:$0x3FB0]  }
0x29: {  	s4 =	sld [smem:$0x3FB2]  }
0x2a: {  	p0 =	seq.s32 s5, $0x0;
	s5 =	sld [smem:$0x3FB3]  }
0x2b: {  	s6 =	sld [smem:$0x3FB4]  }
0x2c: {  	s7 =	sld [smem:$0x3FB5]  }
0x2d: {  	s3 =	simm.s32 $0x108;
	s8 =	sld [smem:$0x3FB6]  }
0x2e: {  	s3 =	simm.s32 @!p0 $0x1082;
	s9 =	sld [smem:$0x3FB7]  }
0x2f: {  	lr =	sadd.s32 s0, s3;
	s0 =	sld [smem:$0x3FAE]  }
0x30: {  	s3 =	sld [smem:$0x3FB1]  }
0x31: {  	[smem:$0x3FBA] =	sst s10  }
0x32: {  	s10 =	sld [smem:$0x3FB8];
	_ =	sdelay $0x3  }
0x33: {  	p0 =	seq.s32 s10, $0x1;
	s10 =	sld [smem:$0x3FBA];
	_ =	sdelay $0x3  }
0x34: {  	[smem:$0x3FBA] =	sst s10  }
0x35: {  	s10 =	sld [smem:$0x3FB9];
	_ =	sdelay $0x3  }
0x36: {  	p1 =	seq.s32 s10, $0x1;
	s10 =	sld [smem:$0x3FBA];
	_ =	sdelay $0x3  }
0x37: {  	[smem:$0x3FBA] =	sst s10  }
0x38: {  	s10 =	sld [smem:$0x3FBB]  }
0x39: {  	_ = 	snop;
	(pc) =	sbr.ind lr, $3  }
0x3a: {  	_ = 	snop  }
0x3b: {  	_ = 	snop  }
0x3c: {  	p2 =	seq.s32 s10, $0x1;
	s10 =	sld [smem:$0x3FBA]  }
0x3d: {  	_ =	shalt  }
0x3e: {  	_ =	shalt  }
0x3f: {  	_ =	shalt  }
0x40: {  	_ =	shalt  }
0x41: {  	_ =	shalt  }
0x42: {  	_ =	shalt  }
0x43: {  	_ =	shalt  }
0x44: {  	_ =	shalt  }
0x45: {  	_ =	shalt  }
0x46: {  	_ =	shalt  }
0x47: {  	_ =	shalt  }
0x48: {  	_ =	shalt  }
0x49: {  	_ =	shalt  }
0x4a: {  	_ =	shalt  }
0x4b: {  	_ =	shalt  }
0x4c: {  	_ =	shalt  }
0x4d: {  	_ =	shalt  }
0x4e: {  	_ =	shalt  }
0x4f: {  	_ =	shalt  }
0x50: {  	_ =	shalt  }
0x51: {  	_ =	shalt  }
0x52: {  	_ =	shalt  }
0x53: {  	_ =	shalt  }
0x54: {  	_ =	shalt  }
0x55: {  	_ =	shalt  }
0x56: {  	_ =	shalt  }
0x57: {  	_ =	shalt  }
0x58: {  	_ =	shalt  }
0x59: {  	_ =	shalt  }
0x5a: {  	_ =	shalt  }
0x5b: {  	_ =	shalt  }
0x5c: {  	_ =	shalt  }
0x5d: {  	_ =	shalt  }
0x5e: {  	_ =	shalt  }
0x5f: {  	_ =	shalt  }
0x60: {  	_ =	shalt  }
0x61: {  	_ =	shalt  }
0x62: {  	_ =	shalt  }
0x63: {  	_ =	shalt  }
0x64: {  	_ =	shalt  }
0x65: {  	_ =	shalt  }
0x66: {  	_ =	shalt  }
0x67: {  	_ =	shalt  }
0x68: {  	_ =	shalt  }
0x69: {  	_ =	shalt  }
0x6a: {  	_ =	shalt  }
0x6b: {  	_ =	shalt  }
0x6c: {  	_ =	shalt  }
0x6d: {  	_ =	shalt  }
0x6e: {  	_ =	shalt  }
0x6f: {  	_ =	shalt  }
0x70: {  	_ =	shalt  }
0x71: {  	_ =	shalt  }
0x72: {  	_ =	shalt  }
0x73: {  	_ =	shalt  }
0x74: {  	_ =	shalt  }
0x75: {  	_ =	shalt  }
0x76: {  	_ =	shalt  }
0x77: {  	_ =	shalt  }
0x78: {  	_ =	shalt  }
0x79: {  	_ =	shalt  }
0x7a: {  	_ =	shalt  }
0x7b: {  	_ =	shalt  }
0x7c: {  	_ =	shalt  }
0x7d: {  	_ =	shalt  }
0x7e: {  	_ =	shalt  }
0x7f: {  	_ =	shalt  }
0x80: {  	_ =	shalt  }
0x81: {  	_ =	shalt  }
0x82: {  	_ =	shalt  }
0x83: {  	_ =	shalt  }
0x84: {  	_ =	shalt  }
0x85: {  	_ =	shalt  }
0x86: {  	_ =	shalt  }
0x87: {  	_ =	shalt  }
.Lfunc_end0:
.L_simem_size_0:
called_computation_lowered:
.L_overlay_start_0:
0x88: {  	s2 =	sld [smem:$0x3FD9]  }
0x89: {  	s3 =	sld [smem:$0x3FFE];
	_ =	sdelay $0x1  }
0x8a: {  	s1 =	srdreg.scid  }
0x8b: {  	s0 =	sand.u32 $0x1, s1  }
0x8c: {  	s17 =	sshll.u32 s0, $0xA;
	s2 =	sadd.s32 s3, s2  }
0x8d: {  	s2 =	sadd.s32 s2, s17  }
0x8e: {  	[smem:$0x3FC6] =	sst s2  }
0x8f: {  	_ = 	snop  }
0x90: {  	s2 =	sld [smem:$0x3FC9];
	(tm) =	ssettm $0x1  }
0x91: {  	s18 =	sld [smem:$0x3FFB];
	_ =	sdelay $0x3  }
0x92: {  	_ =	strace s18  }
0x93: {  	s3 =	sld [smem:$0x3FFC];
	_ =	sdelay $0x3  }
0x94: {  	_ =	strace s3  }
0x95: {  	s3 =	sld [smem:$0x3FFD];
	_ =	sdelay $0x3  }
0x96: {  	_ =	strace s3  }
0x97: {  	_ =	strace $0x8FFFFFFF  }
0x98: {  	s19 =	sld [smem:$0x3FDB];
	_ =	sdelay $0x1  }
0x99: {  	s4 =	simm.s32 $_scs_section_size  }
0x9a: {  	s5 =	simm.s32 $_size__tile_overlayer_lowered;
	s6 =	simm.s32 $_tile_overlayer_lowered  }
0x9b: {  	s22 =	simm.s32 $0x1BFF;
	s21 =	sshll.u32 s6, $0x1;
	s3 =	sadd.s32 s4, s19  }
0x9c: {  	s7 =	simm.s32 $0x0;
	s20 =	sshll.u32 s5, $0x1;
	s5 =	sadd.s32 s21, s3  }
0x9d: {  	[timem:s7], [sflag:s22] =	dma.local [hbm:s5], s20  }
0x9e: {  	_ =	swait.ge [sflag:s22], s20  }
0x9f: {  	s4 =	ssub.s32 $0x0, s20;
	[sflag:s22] =	ssyncset.done $0x0  }
0xa0: {  	[sflag:s22] =	ssyncadd.s32 s4;
	_ =	sdelay $0x1  }
0xa1: {  	s23 =	simm.s32 $0x1B8B  }
0xa2: {  	_ =	swait.ge [sflag:s23], $0x1  }
0xa3: {  	[sflag:s23] =	ssyncset.done $0x0  }
0xa4: {  	s25 =	simm.s32 $0x1B8E;
	s24 =	sld [smem:$0x3FFE];
	[sflag:s23] =	ssyncadd.s32 $0xFFFFFFFF  }
0xa5: {  	s26 =	simm.s32 $execute0_lowered;
	[smem:$0x3FD2] =	sst s25  }
0xa6: {  	s5 =	sshll.u32 s26, $0x1;
	_ =	strace $0x80000046;
	[dreg:$0x1] =	wrdreg $0xFFFFFFFF  }
0xa7: {  	s28 =	simm.s32 $_size_execute0_lowered;
	s3 =	sadd.s32 s3, s5;
	[dreg:$0x0] =	wrdreg $0x0  }
0xa8: {  	s5 =	sshll.u32 s28, $0x1;
	[dreg:$0x2] =	wrdreg s3  }
0xa9: {  	[dreg:$0x3] =	wrdreg s5  }
0xaa: {  	[dreg:$0x4] =	wrdreg $0xC0  }
0xab: {  	_ =	task [dreg:s7], $0x5FFFF  }
0xac: {  	[dreg:$0x1] =	wrdreg $0xFFFFFFFF  }
0xad: {  	[dreg:$0x0] =	wrdreg $0x60  }
0xae: {  	[dreg:$0x2] =	wrdreg s2  }
0xaf: {  	[dreg:$0x3] =	wrdreg s24  }
0xb0: {  	[dreg:$0x4] =	wrdreg $0x9  }
0xb1: {  	_ =	task.clear_ibuf [dreg:s7], $0x5FFFF;
	_ =	strace $0x90000046  }
0xb2: {  	s29 =	simm.s32 $0x9;
	_ =	strace $0x80000048  }
0xb3: {  	_ =	swait.ge [sflag:s29], $0x1  }
0xb4: {  	[sflag:s29] =	ssyncadd.s32 $0xFFFFFFFF  }
0xb5: {  	_ =	strace $0x90000048  }
0xb6: {  	_ =	sfence  }
0xb7: {  	s30 =	sld [smem:$0x0];
	_ =	sdelay $0x2  }
0xb8: {  	s31 =	sshll.u32 s1, $0xD;
	s1 =	sshrl.u32 s1, $0x2  }
0xb9: {  	s3 =	sand.u32 $0x4000, s31;
	s1 =	sadd.s32 s1, s30  }
0xba: {  	s0 =	sor.u32 s3, s0;
	s1 =	sshll.u32 s1, $0x11  }
0xbb: {  	s0 =	sor.u32 s1, s0  }
0xbc: {  	s0 =	sadd.s32 $0x8F2B, s0  }
0xbd: {  	[sflag:s0] =	ssyncadd.remote.s32 $0x1  }
0xbe: {  	_ =	sfence.sel $0xFFFF  }
0xbf: {  	[dreg:$0x0] =	wrdreg $0xFFFFFFFF;
	(pc) =	sbr.abs _section_cstart, $3  }
0xc0: {  	[dreg:$0x1] =	wrdreg $0xFFFFFFFF  }
0xc1: {  	_ =	task.clear_ibuf [dreg:s7], $0x2FFFF;
	_ =	strace $0x9FFFFFFF  }
0xc2: {  	(tm) =	ssettm $0x7FFFFFFF  }
0xc3: {  	_ =	shalt  }
tec
execute0_lowered:
.L_overlay_start_1:
0x0: {  	(tag) =	ssettag $0x1  }
0x1: {  	s0 =	rddreg [dreg:$0x0]  }
0x2: {  	s1 =	rddreg [dreg:$0x1]  }
0x3: {  	s2 =	simm.s32 $0x0;
	s14 =	srdreg.scid;
	s5 =	stileid.u32  }
0x4: {  	[smem:$0x7FF] =	sst s2;
	s2 =	sand.u32 $0x1, s14;
	s3 =	sshll.u32 s5, $0x9  }
0x5: {  	s5 =	sshrl.u32 s5, $0x1;
	s1 =	sadd.s32 $0x800, s1;
	_ =	strace $0x80000047  }
0x6: {  	s4 =	sshll.u32 s2, $0x8;
	s3 =	sand.u32 $0x200, s3;
	s2 =	ssub.s32 $0x2, s2  }
0x7: {  	s6 =	sshll.u32 s5, $0xF;
	s10 =	smul.u32 $0x9000, s5;
	s7 =	sor.u32 s4, s3  }
0x8: {  	s15 =	sshrl.u32 s2, $0x1;
	s4 =	sor.u32 s6, s7;
	s8 =	sor.u32 $0x80, s7  }
0x9: {  	s2 =	ssub.s32 s2, s15;
	s16 =	sor.u32 s10, s7;
	s17 =	sor.u32 s10, s8  }
0xa: {  	s4 =	sshrl.u32 s4, $0x3;
	s19 =	smax.u32 s2, $0x1;
	s7 =	sshrl.u32 s17, $0x3  }
0xb: {  	s3 =	sadd.s32 s0, s4;
	[dreg:$0x5] =	wrdreg s19;
	s18 =	sadd.s32 s1, s7  }
0xc: {  	s20 =	sadd.s32 $0x60000, s3;
	[dreg:$0x4] =	wrdreg s18  }
0xd: {  	s21 =	sadd.s32 $0xC0000, s3;
	[dreg:$0x6] =	wrdreg s20  }
0xe: {  	s22 =	sadd.s32 $0x120000, s3;
	[dreg:$0x7] =	wrdreg s21  }
0xf: {  	s23 =	sadd.s32 $0x180000, s3;
	[dreg:$0x8] =	wrdreg s22  }
0x10: {  	s24 =	sadd.s32 $0x1E0000, s3;
	[dreg:$0x9] =	wrdreg s23  }
0x11: {  	s9 =	sadd.s32 $0xF80, s0;
	s25 =	sadd.s32 $0x240000, s3;
	[dreg:$0xa] =	wrdreg s24  }
0x12: {  	s6 =	sor.u32 s6, s8;
	s26 =	sadd.s32 $0x2A0000, s3;
	[dreg:$0xb] =	wrdreg s25  }
0x13: {  	s4 =	sadd.s32 s4, s9;
	s2 =	sadd.s32 $0x360000, s3;
	[dreg:$0xc] =	wrdreg s26  }
0x14: {  	s6 =	sshrl.u32 s6, $0x3;
	s7 =	sadd.s32 $0x3C0000, s3;
	[dreg:$0xe] =	wrdreg s2  }
0x15: {  	s5 =	sadd.s32 s0, s6;
	s8 =	sadd.s32 $0x420000, s3;
	[dreg:$0xf] =	wrdreg s7  }
0x16: {  	s6 =	sadd.s32 s6, s9;
	s9 =	sadd.s32 $0x60000, s4;
	[dreg:$0x10] =	wrdreg s8  }
0x17: {  	s10 =	sadd.s32 $0xC0000, s4;
	[dreg:$0x11] =	wrdreg s9  }
0x18: {  	s11 =	sadd.s32 $0x120000, s4;
	[dreg:$0x12] =	wrdreg s10  }
0x19: {  	s12 =	sadd.s32 $0x180000, s4;
	[dreg:$0x13] =	wrdreg s11  }
0x1a: {  	s13 =	sadd.s32 $0x1E0000, s4;
	[dreg:$0x14] =	wrdreg s12  }
0x1b: {  	s14 =	sadd.s32 $0x240000, s4;
	[dreg:$0x15] =	wrdreg s13  }
0x1c: {  	s15 =	sadd.s32 $0x2A0000, s4;
	[dreg:$0x16] =	wrdreg s14  }
0x1d: {  	s0 =	sshrl.u32 s16, $0x3;
	s16 =	sadd.s32 $0x300000, s4;
	[dreg:$0x17] =	wrdreg s15  }
0x1e: {  	s17 =	sadd.s32 $0x360000, s4;
	[dreg:$0x18] =	wrdreg s16  }
0x1f: {  	s28 =	simm.s32 $0x80;
	s19 =	sadd.s32 $0x420000, s4;
	[dreg:$0x19] =	wrdreg s17  }
0x20: {  	s29 =	simm.s32 $0x40000;
	s0 =	sadd.s32 s1, s0;
	[dreg:$0x1b] =	wrdreg s19  }
0x21: {  	s30 =	simm.s32 $0x1;
	s1 =	sadd.s32 $0x300000, s3;
	[dreg:$0x3] =	wrdreg s0  }
0x22: {  	s31 =	simm.s32 $0x400;
	s18 =	sadd.s32 $0x3C0000, s4;
	[dreg:$0xd] =	wrdreg s1  }
0x23: {  	s20 =	sadd.s32 $0x60000, s5;
	s21 =	sadd.s32 $0xC0000, s5;
	[dreg:$0x1a] =	wrdreg s18  }
0x24: {  	s22 =	sadd.s32 $0x120000, s5;
	s23 =	sadd.s32 $0x180000, s5;
	[dreg:$0x1c] =	wrdreg s20  }
0x25: {  	s24 =	sadd.s32 $0x1E0000, s5;
	s25 =	sadd.s32 $0x240000, s5;
	[dreg:$0x1d] =	wrdreg s21  }
0x26: {  	s26 =	sadd.s32 $0x2A0000, s5;
	s12 =	sadd.s32 $0x300000, s5;
	[dreg:$0x1e] =	wrdreg s22  }
0x27: {  	s13 =	sadd.s32 $0x360000, s5;
	s14 =	sadd.s32 $0x3C0000, s5;
	[dreg:$0x1f] =	wrdreg s23  }
0x28: {  	s15 =	sadd.s32 $0x420000, s5;
	s16 =	sadd.s32 $0x60000, s6;
	[smem:$0x7FB] =	sst s24  }
0x29: {  	s17 =	sadd.s32 $0xC0000, s6;
	s19 =	sadd.s32 $0x180000, s6;
	[smem:$0x7FC] =	sst s25  }
0x2a: {  	s2 =	simm.s32 $0x0;
	[smem:$0x7FD] =	sst s26;
	s18 =	sadd.s32 $0x120000, s6  }
0x2b: {  	s20 =	sadd.s32 $0x1E0000, s6;
	s21 =	sadd.s32 $0x240000, s6;
	s22 =	sadd.s32 $0x2A0000, s6  }
0x2c: {  	s23 =	sadd.s32 $0x300000, s6;
	s24 =	sadd.s32 $0x360000, s6;
	s25 =	sadd.s32 $0x3C0000, s6  }
0x2d: {  	s26 =	sadd.s32 $0x420000, s6;
	s0 =	simm.s32 $0x18000;
	s1 =	simm.s32 $0x2  }
.LBB2_1:
0x2e: {  	s8 =	simm.s32 $0x0  }
0x2f: {  	[tilespmem:s8], [sflag:$0x1] =	stream.strided.gather [hbm4b:s3+s28], $0x600, s29, s28, $0x38;
	[tilespmem:$0x1A400] =	vst v63  }
0x30: {  	s7 =	rddreg [dreg:$0x6];
	s9 =	simm.s32 $0x800  }
0x31: {  	[tilespmem:s9], [sflag:$0x1] =	stream.strided.gather [hbm4b:s7+s28], $0x600, s29, s28, $0x38;
	[tilespmem:$0x1A400] =	vst v63  }
0x32: {  	s10 =	rddreg [dreg:$0x7];
	s11 =	simm.s32 $0x1000  }
0x33: {  	[tilespmem:s11], [sflag:$0x1] =	stream.strided.gather [hbm4b:s10+s28], $0x600, s29, s28, $0x38;
	[tilespmem:$0x1A400] =	vst v63  }
0x34: {  	s10 =	rddreg [dreg:$0x8];
	s11 =	simm.s32 $0x1800  }
0x35: {  	[tilespmem:s11], [sflag:$0x1] =	stream.strided.gather [hbm4b:s10+s28], $0x600, s29, s28, $0x38;
	[tilespmem:$0x1A400] =	vst v63  }
0x36: {  	s10 =	rddreg [dreg:$0x9];
	s11 =	simm.s32 $0x2000  }
0x37: {  	[tilespmem:s11], [sflag:$0x1] =	stream.strided.gather [hbm4b:s10+s28], $0x600, s29, s28, $0x38;
	[tilespmem:$0x1A400] =	vst v63  }
0x38: {  	s10 =	rddreg [dreg:$0xa];
	s11 =	simm.s32 $0x2800  }
0x39: {  	[tilespmem:s11], [sflag:$0x1] =	stream.strided.gather [hbm4b:s10+s28], $0x600, s29, s28, $0x38;
	[tilespmem:$0x1A400] =	vst v63  }
0x3a: {  	s10 =	rddreg [dreg:$0xb];
	s11 =	simm.s32 $0x3000  }
0x3b: {  	[tilespmem:s11], [sflag:$0x1] =	stream.strided.gather [hbm4b:s10+s28], $0x600, s29, s28, $0x38;
	[tilespmem:$0x1A400] =	vst v63  }
0x3c: {  	s10 =	rddreg [dreg:$0xc];
	s11 =	simm.s32 $0x3800  }
0x3d: {  	[tilespmem:s11], [sflag:$0x1] =	stream.strided.gather [hbm4b:s10+s28], $0x600, s29, s28, $0x38;
	[tilespmem:$0x1A400] =	vst v63  }
0x3e: {  	s10 =	rddreg [dreg:$0xd];
	s11 =	simm.s32 $0x4000  }
0x3f: {  	[tilespmem:s11], [sflag:$0x1] =	stream.strided.gather [hbm4b:s10+s28], $0x600, s29, s28, $0x38;
	[tilespmem:$0x1A400] =	vst v63  }
0x40: {  	s10 =	rddreg [dreg:$0xe];
	s11 =	simm.s32 $0x4800  }
0x41: {  	[tilespmem:s11], [sflag:$0x1] =	stream.strided.gather [hbm4b:s10+s28], $0x600, s29, s28, $0x38;
	[tilespmem:$0x1A400] =	vst v63  }
0x42: {  	s10 =	rddreg [dreg:$0xf];
	s11 =	simm.s32 $0x5000  }
0x43: {  	[tilespmem:s11], [sflag:$0x1] =	stream.strided.gather [hbm4b:s10+s28], $0x600, s29, s28, $0x38;
	[tilespmem:$0x1A400] =	vst v63  }
0x44: {  	s10 =	rddreg [dreg:$0x10];
	s11 =	simm.s32 $0x5800  }
0x45: {  	[tilespmem:s11], [sflag:$0x1] =	stream.strided.gather [hbm4b:s10+s28], $0x600, s29, s28, $0x38;
	[tilespmem:$0x1A400] =	vst v63  }
0x46: {  	s9 =	simm.s32 $0x6000  }
0x47: {  	[tilespmem:s9], [sflag:$0x1] =	stream.strided.gather [hbm4b:s4+s28], $0x600, s29, s28, $0x38;
	[tilespmem:$0x1A400] =	vst v63  }
0x48: {  	s10 =	rddreg [dreg:$0x11];
	s11 =	simm.s32 $0x6800  }
0x49: {  	[tilespmem:s11], [sflag:$0x1] =	stream.strided.gather [hbm4b:s10+s28], $0x600, s29, s28, $0x38;
	[tilespmem:$0x1A400] =	vst v63  }
0x4a: {  	s10 =	rddreg [dreg:$0x12];
	s11 =	simm.s32 $0x7000  }
0x4b: {  	[tilespmem:s11], [sflag:$0x1] =	stream.strided.gather [hbm4b:s10+s28], $0x600, s29, s28, $0x38;
	[tilespmem:$0x1A400] =	vst v63  }
0x4c: {  	s10 =	rddreg [dreg:$0x13];
	s11 =	simm.s32 $0x7800  }
0x4d: {  	[tilespmem:s11], [sflag:$0x1] =	stream.strided.gather [hbm4b:s10+s28], $0x600, s29, s28, $0x38;
	[tilespmem:$0x1A400] =	vst v63  }
0x4e: {  	s10 =	rddreg [dreg:$0x14];
	s11 =	simm.s32 $0x8000  }
0x4f: {  	[tilespmem:s11], [sflag:$0x1] =	stream.strided.gather [hbm4b:s10+s28], $0x600, s29, s28, $0x38;
	[tilespmem:$0x1A400] =	vst v63  }
0x50: {  	s10 =	rddreg [dreg:$0x15];
	s11 =	simm.s32 $0x8800  }
0x51: {  	[tilespmem:s11], [sflag:$0x1] =	stream.strided.gather [hbm4b:s10+s28], $0x600, s29, s28, $0x38;
	[tilespmem:$0x1A400] =	vst v63  }
0x52: {  	s10 =	rddreg [dreg:$0x16];
	s11 =	simm.s32 $0x9000  }
0x53: {  	[tilespmem:s11], [sflag:$0x1] =	stream.strided.gather [hbm4b:s10+s28], $0x600, s29, s28, $0x38;
	[tilespmem:$0x1A400] =	vst v63  }
0x54: {  	s10 =	rddreg [dreg:$0x17];
	s11 =	simm.s32 $0x9800  }
0x55: {  	[tilespmem:s11], [sflag:$0x1] =	stream.strided.gather [hbm4b:s10+s28], $0x600, s29, s28, $0x38;
	[tilespmem:$0x1A400] =	vst v63  }
0x56: {  	s10 =	rddreg [dreg:$0x18];
	s11 =	simm.s32 $0xA000  }
0x57: {  	[tilespmem:s11], [sflag:$0x1] =	stream.strided.gather [hbm4b:s10+s28], $0x600, s29, s28, $0x38;
	[tilespmem:$0x1A400] =	vst v63  }
0x58: {  	s10 =	rddreg [dreg:$0x19];
	s11 =	simm.s32 $0xA800  }
0x59: {  	[tilespmem:s11], [sflag:$0x1] =	stream.strided.gather [hbm4b:s10+s28], $0x600, s29, s28, $0x38;
	[tilespmem:$0x1A400] =	vst v63  }
0x5a: {  	s10 =	rddreg [dreg:$0x1a];
	s11 =	simm.s32 $0xB000  }
0x5b: {  	[tilespmem:s11], [sflag:$0x1] =	stream.strided.gather [hbm4b:s10+s28], $0x600, s29, s28, $0x38;
	[tilespmem:$0x1A400] =	vst v63  }
0x5c: {  	s10 =	rddreg [dreg:$0x1b];
	s11 =	simm.s32 $0xB800  }
0x5d: {  	[tilespmem:s11], [sflag:$0x1] =	stream.strided.gather [hbm4b:s10+s28], $0x600, s29, s28, $0x38;
	[tilespmem:$0x1A400] =	vst v63  }
0x5e: {  	s9 =	simm.s32 $0xC000  }
0x5f: {  	[tilespmem:s9], [sflag:$0x1] =	stream.strided.gather [hbm4b:s5+s28], $0x600, s29, s28, $0x38;
	[tilespmem:$0x1A400] =	vst v63  }
0x60: {  	s10 =	rddreg [dreg:$0x1c];
	s11 =	simm.s32 $0xC800  }
0x61: {  	[tilespmem:s11], [sflag:$0x1] =	stream.strided.gather [hbm4b:s10+s28], $0x600, s29, s28, $0x38;
	[tilespmem:$0x1A400] =	vst v63  }
0x62: {  	s10 =	rddreg [dreg:$0x1d];
	s11 =	simm.s32 $0xD000  }
0x63: {  	[tilespmem:s11], [sflag:$0x1] =	stream.strided.gather [hbm4b:s10+s28], $0x600, s29, s28, $0x38;
	[tilespmem:$0x1A400] =	vst v63  }
0x64: {  	s10 =	rddreg [dreg:$0x1e];
	s11 =	simm.s32 $0xD800  }
0x65: {  	[tilespmem:s11], [sflag:$0x1] =	stream.strided.gather [hbm4b:s10+s28], $0x600, s29, s28, $0x38;
	[tilespmem:$0x1A400] =	vst v63  }
0x66: {  	s10 =	rddreg [dreg:$0x1f];
	s11 =	simm.s32 $0xE000  }
0x67: {  	[tilespmem:s11], [sflag:$0x1] =	stream.strided.gather [hbm4b:s10+s28], $0x600, s29, s28, $0x38;
	[tilespmem:$0x1A400] =	vst v63  }
0x68: {  	s10 =	sld [smem:$0x7FB];
	_ =	sdelay $0x1  }
0x69: {  	s11 =	simm.s32 $0xE800  }
0x6a: {  	[tilespmem:s11], [sflag:$0x1] =	stream.strided.gather [hbm4b:s10+s28], $0x600, s29, s28, $0x38;
	[tilespmem:$0x1A400] =	vst v63  }
0x6b: {  	s10 =	sld [smem:$0x7FC];
	_ =	sdelay $0x1  }
0x6c: {  	s11 =	simm.s32 $0xF000  }
0x6d: {  	[tilespmem:s11], [sflag:$0x1] =	stream.strided.gather [hbm4b:s10+s28], $0x600, s29, s28, $0x38;
	[tilespmem:$0x1A400] =	vst v63  }
0x6e: {  	s10 =	sld [smem:$0x7FD];
	_ =	sdelay $0x1  }
0x6f: {  	s11 =	simm.s32 $0xF800  }
0x70: {  	[tilespmem:s11], [sflag:$0x1] =	stream.strided.gather [hbm4b:s10+s28], $0x600, s29, s28, $0x38;
	[tilespmem:$0x1A400] =	vst v63  }
0x71: {  	s10 =	simm.s32 $0x10000  }
0x72: {  	[tilespmem:s10], [sflag:$0x1] =	stream.strided.gather [hbm4b:s12+s28], $0x600, s29, s28, $0x38;
	[tilespmem:$0x1A400] =	vst v63  }
0x73: {  	s11 =	simm.s32 $0x10800  }
0x74: {  	[tilespmem:s11], [sflag:$0x1] =	stream.strided.gather [hbm4b:s13+s28], $0x600, s29, s28, $0x38;
	[tilespmem:$0x1A400] =	vst v63  }
0x75: {  	s9 =	simm.s32 $0x11000  }
0x76: {  	[tilespmem:s9], [sflag:$0x1] =	stream.strided.gather [hbm4b:s14+s28], $0x600, s29, s28, $0x38;
	[tilespmem:$0x1A400] =	vst v63  }
0x77: {  	s10 =	simm.s32 $0x11800  }
0x78: {  	[tilespmem:s10], [sflag:$0x1] =	stream.strided.gather [hbm4b:s15+s28], $0x600, s29, s28, $0x38;
	[tilespmem:$0x1A400] =	vst v63  }
0x79: {  	s11 =	simm.s32 $0x12000  }
0x7a: {  	[tilespmem:s11], [sflag:$0x1] =	stream.strided.gather [hbm4b:s6+s28], $0x600, s29, s28, $0x38;
	[tilespmem:$0x1A400] =	vst v63  }
0x7b: {  	s9 =	simm.s32 $0x12800  }
0x7c: {  	[tilespmem:s9], [sflag:$0x1] =	stream.strided.gather [hbm4b:s16+s28], $0x600, s29, s28, $0x38;
	[tilespmem:$0x1A400] =	vst v63  }
0x7d: {  	s10 =	simm.s32 $0x13000  }
0x7e: {  	[tilespmem:s10], [sflag:$0x1] =	stream.strided.gather [hbm4b:s17+s28], $0x600, s29, s28, $0x38;
	[tilespmem:$0x1A400] =	vst v63  }
0x7f: {  	s11 =	simm.s32 $0x13800  }
0x80: {  	[tilespmem:s11], [sflag:$0x1] =	stream.strided.gather [hbm4b:s18+s28], $0x600, s29, s28, $0x38;
	[tilespmem:$0x1A400] =	vst v63  }
0x81: {  	s9 =	simm.s32 $0x14000  }
0x82: {  	[tilespmem:s9], [sflag:$0x1] =	stream.strided.gather [hbm4b:s19+s28], $0x600, s29, s28, $0x38;
	[tilespmem:$0x1A400] =	vst v63  }
0x83: {  	s10 =	simm.s32 $0x14800  }
0x84: {  	[tilespmem:s10], [sflag:$0x1] =	stream.strided.gather [hbm4b:s20+s28], $0x600, s29, s28, $0x38;
	[tilespmem:$0x1A400] =	vst v63  }
0x85: {  	s11 =	simm.s32 $0x15000  }
0x86: {  	[tilespmem:s11], [sflag:$0x1] =	stream.strided.gather [hbm4b:s21+s28], $0x600, s29, s28, $0x38;
	[tilespmem:$0x1A400] =	vst v63  }
0x87: {  	s9 =	simm.s32 $0x15800  }
0x88: {  	[tilespmem:s9], [sflag:$0x1] =	stream.strided.gather [hbm4b:s22+s28], $0x600, s29, s28, $0x38;
	[tilespmem:$0x1A400] =	vst v63  }
0x89: {  	s10 =	simm.s32 $0x16000  }
0x8a: {  	[tilespmem:s10], [sflag:$0x1] =	stream.strided.gather [hbm4b:s23+s28], $0x600, s29, s28, $0x38;
	[tilespmem:$0x1A400] =	vst v63  }
0x8b: {  	s11 =	simm.s32 $0x16800  }
0x8c: {  	[tilespmem:s11], [sflag:$0x1] =	stream.strided.gather [hbm4b:s24+s28], $0x600, s29, s28, $0x38;
	[tilespmem:$0x1A400] =	vst v63  }
0x8d: {  	s9 =	simm.s32 $0x17000  }
0x8e: {  	[tilespmem:s9], [sflag:$0x1] =	stream.strided.gather [hbm4b:s25+s28], $0x600, s29, s28, $0x38;
	[tilespmem:$0x1A400] =	vst v63  }
0x8f: {  	s10 =	simm.s32 $0x17800  }
0x90: {  	[tilespmem:s10], [sflag:$0x1] =	stream.strided.gather [hbm4b:s26+s28], $0x600, s29, s28, $0x38;
	[tilespmem:$0x1A400] =	vst v63  }
0x91: {  	_ =	swait.ge [sflag:s30], $0x4800  }
0x92: {  	[sflag:s30] =	ssyncset.done $0x0  }
0x93: {  	[sflag:s30] =	ssyncadd.s32 $0xFFFFB800  }
0x94: {  	_ =	swait.ge [sflag:s30], $0x4800  }
0x95: {  	[sflag:s30] =	ssyncset.done $0x0  }
0x96: {  	s11 =	simm.s32 $0x0;
	[sflag:s30] =	ssyncadd.s32 $0xFFFFB800  }
0x97: {  	v0 =	vld [tilespmem:s11+$0x0];
	_ =	sdelay $0x4  }
0x98: {  	[tilespmem:s0+$0x0] =	vst v0  }
0x99: {  	v0 =	vld [tilespmem:s11+$0x6070];
	_ =	sdelay $0x3  }
0x9a: {  	s8 =	sand.u32 $0xFC0, s8  }
0x9b: {  	[tilespmem:s8+$0x18900] =	vst v0  }
0x9c: {  	v0 =	vld [tilespmem:s11+$0x80];
	_ =	sdelay $0x4  }
0x9d: {  	[tilespmem:s0+$0x10] =	vst v0  }
0x9e: {  	v0 =	vld [tilespmem:s11+$0x60F0];
	_ =	sdelay $0x4  }
0x9f: {  	[tilespmem:s0+$0x910] =	vst v0  }
0xa0: {  	v0 =	vld [tilespmem:s11+$0x100];
	_ =	sdelay $0x4  }
0xa1: {  	[tilespmem:s0+$0x20] =	vst v0  }
0xa2: {  	v0 =	vld [tilespmem:s11+$0x6170];
	_ =	sdelay $0x4  }
0xa3: {  	[tilespmem:s0+$0x920] =	vst v0  }
0xa4: {  	v0 =	vld [tilespmem:s11+$0x180];
	_ =	sdelay $0x4  }
0xa5: {  	[tilespmem:s0+$0x30] =	vst v0  }
0xa6: {  	v0 =	vld [tilespmem:s11+$0x61F0];
	_ =	sdelay $0x4  }
0xa7: {  	[tilespmem:s0+$0x930] =	vst v0  }
0xa8: {  	v0 =	vld [tilespmem:s11+$0x200];
	_ =	sdelay $0x4  }
0xa9: {  	[tilespmem:s0+$0x40] =	vst v0  }
0xaa: {  	v0 =	vld [tilespmem:s11+$0x6270];
	_ =	sdelay $0x4  }
0xab: {  	[tilespmem:s0+$0x940] =	vst v0  }
0xac: {  	v0 =	vld [tilespmem:s11+$0x280];
	_ =	sdelay $0x4  }
0xad: {  	[tilespmem:s0+$0x50] =	vst v0  }
0xae: {  	v0 =	vld [tilespmem:s11+$0x62F0];
	_ =	sdelay $0x4  }
0xaf: {  	[tilespmem:s0+$0x950] =	vst v0  }
0xb0: {  	v0 =	vld [tilespmem:s11+$0x300];
	_ =	sdelay $0x4  }
0xb1: {  	[tilespmem:s0+$0x60] =	vst v0  }
0xb2: {  	v0 =	vld [tilespmem:s11+$0x6370];
	_ =	sdelay $0x4  }
0xb3: {  	[tilespmem:s0+$0x960] =	vst v0  }
0xb4: {  	v0 =	vld [tilespmem:s11+$0x380];
	_ =	sdelay $0x4  }
0xb5: {  	[tilespmem:s0+$0x70] =	vst v0  }
0xb6: {  	v0 =	vld [tilespmem:s11+$0x63F0];
	_ =	sdelay $0x4  }
0xb7: {  	[tilespmem:s0+$0x970] =	vst v0  }
0xb8: {  	v0 =	vld [tilespmem:s11+$0x400];
	_ =	sdelay $0x4  }
0xb9: {  	[tilespmem:s8+$0x18080] =	vst v0  }
0xba: {  	v0 =	vld [tilespmem:s11+$0x6470];
	_ =	sdelay $0x4  }
0xbb: {  	[tilespmem:s8+$0x18980] =	vst v0  }
0xbc: {  	v0 =	vld [tilespmem:s11+$0x480];
	_ =	sdelay $0x4  }
0xbd: {  	[tilespmem:s0+$0x90] =	vst v0  }
0xbe: {  	v0 =	vld [tilespmem:s11+$0x64F0];
	_ =	sdelay $0x4  }
0xbf: {  	[tilespmem:s0+$0x990] =	vst v0  }
0xc0: {  	v0 =	vld [tilespmem:s11+$0x500];
	_ =	sdelay $0x4  }
0xc1: {  	[tilespmem:s0+$0xA0] =	vst v0  }
0xc2: {  	v0 =	vld [tilespmem:s11+$0x6570];
	_ =	sdelay $0x4  }
0xc3: {  	[tilespmem:s0+$0x9A0] =	vst v0  }
0xc4: {  	v0 =	vld [tilespmem:s11+$0x580];
	_ =	sdelay $0x4  }
0xc5: {  	[tilespmem:s0+$0xB0] =	vst v0  }
0xc6: {  	v0 =	vld [tilespmem:s11+$0x65F0];
	_ =	sdelay $0x3  }
0xc7: {  	s7 =	simm.s32 $0x800  }
0xc8: {  	s9 =	simm.s32 $0x18000;
	s10 =	simm.s32 $0x4000;
	s8 =	simm.s32 $0x0;
	[tilespmem:s0+$0x9B0] =	vst v0  }
.LBB2_2:
0xc9: {  	p0 =	sne.s32 s10, $0x16000;
	v0 =	vld [tilespmem:s7+$0x0];
	_ =	sdelay $0x3  }
0xca: {  	s9 =	sadd.s32 $0xC0, s9  }
0xcb: {  	[tilespmem:s9+$0x0] =	vst v0  }
0xcc: {  	v0 =	vld [tilespmem:s7+$0x6070];
	_ =	sdelay $0x2  }
0xcd: {  	s8 =	sadd.s32 $0xC0, s8  }
0xce: {  	s11 =	sand.u32 $0xFC0, s8  }
0xcf: {  	[tilespmem:s11+$0x18900] =	vst v0  }
0xd0: {  	v0 =	vld [tilespmem:s7+$0x80];
	_ =	sdelay $0x4  }
0xd1: {  	[tilespmem:s9+$0x10] =	vst v0  }
0xd2: {  	v0 =	vld [tilespmem:s7+$0x60F0];
	_ =	sdelay $0x4  }
0xd3: {  	[tilespmem:s9+$0x910] =	vst v0  }
0xd4: {  	v0 =	vld [tilespmem:s7+$0x100];
	_ =	sdelay $0x4  }
0xd5: {  	[tilespmem:s9+$0x20] =	vst v0  }
0xd6: {  	v0 =	vld [tilespmem:s7+$0x6170];
	_ =	sdelay $0x4  }
0xd7: {  	[tilespmem:s9+$0x920] =	vst v0  }
0xd8: {  	v0 =	vld [tilespmem:s7+$0x180];
	_ =	sdelay $0x4  }
0xd9: {  	[tilespmem:s9+$0x30] =	vst v0  }
0xda: {  	v0 =	vld [tilespmem:s7+$0x61F0];
	_ =	sdelay $0x4  }
0xdb: {  	[tilespmem:s9+$0x930] =	vst v0  }
0xdc: {  	v0 =	vld [tilespmem:s7+$0x200];
	_ =	sdelay $0x4  }
0xdd: {  	[tilespmem:s9+$0x40] =	vst v0  }
0xde: {  	v0 =	vld [tilespmem:s7+$0x6270];
	_ =	sdelay $0x4  }
0xdf: {  	[tilespmem:s9+$0x940] =	vst v0  }
0xe0: {  	v0 =	vld [tilespmem:s7+$0x280];
	_ =	sdelay $0x4  }
0xe1: {  	[tilespmem:s9+$0x50] =	vst v0  }
0xe2: {  	v0 =	vld [tilespmem:s7+$0x62F0];
	_ =	sdelay $0x4  }
0xe3: {  	[tilespmem:s9+$0x950] =	vst v0  }
0xe4: {  	v0 =	vld [tilespmem:s7+$0x300];
	_ =	sdelay $0x4  }
0xe5: {  	[tilespmem:s9+$0x60] =	vst v0  }
0xe6: {  	v0 =	vld [tilespmem:s7+$0x6370];
	_ =	sdelay $0x4  }
0xe7: {  	[tilespmem:s9+$0x960] =	vst v0  }
0xe8: {  	v0 =	vld [tilespmem:s7+$0x380];
	_ =	sdelay $0x4  }
0xe9: {  	[tilespmem:s9+$0x70] =	vst v0  }
0xea: {  	v0 =	vld [tilespmem:s7+$0x63F0];
	_ =	sdelay $0x4  }
0xeb: {  	[tilespmem:s9+$0x970] =	vst v0  }
0xec: {  	v0 =	vld [tilespmem:s7+$0x400];
	_ =	sdelay $0x4  }
0xed: {  	[tilespmem:s11+$0x18080] =	vst v0  }
0xee: {  	v0 =	vld [tilespmem:s7+$0x6470];
	_ =	sdelay $0x4  }
0xef: {  	[tilespmem:s11+$0x18980] =	vst v0  }
0xf0: {  	v0 =	vld [tilespmem:s7+$0x480];
	_ =	sdelay $0x4  }
0xf1: {  	[tilespmem:s9+$0x90] =	vst v0  }
0xf2: {  	v0 =	vld [tilespmem:s7+$0x64F0];
	_ =	sdelay $0x4  }
0xf3: {  	[tilespmem:s9+$0x990] =	vst v0  }
0xf4: {  	v0 =	vld [tilespmem:s7+$0x500];
	_ =	sdelay $0x4  }
0xf5: {  	[tilespmem:s9+$0xA0] =	vst v0  }
0xf6: {  	v0 =	vld [tilespmem:s7+$0x6570];
	_ =	sdelay $0x4  }
0xf7: {  	[tilespmem:s9+$0x9A0] =	vst v0  }
0xf8: {  	v0 =	vld [tilespmem:s7+$0x580];
	_ =	sdelay $0x4  }
0xf9: {  	[tilespmem:s9+$0xB0] =	vst v0  }
0xfa: {  	v0 =	vld [tilespmem:s7+$0x65F0]  }
.Ltmp0:
0xfb: {  	(pc) =	sbr.rel @p0 .LBB2_2-.Ltmp0, $2  }
0xfc: {  	_ =	sdelay $0x2  }
0xfd: {  	s7 =	sshra.s32 s10, $0x2;
	s10 =	sadd.s32 $0x2000, s10;
	[tilespmem:s9+$0x9B0] =	vst v0  }
0xfe: {  	v0 =	vld [tilespmem:s7+$0x0];
	_ =	sdelay $0x3  }
0xff: {  	s9 =	sadd.s32 $0xC0, s9  }
0x100: {  	[tilespmem:s9+$0x0] =	vst v0  }
0x101: {  	v0 =	vld [tilespmem:s7+$0x6070];
	_ =	sdelay $0x2  }
0x102: {  	s8 =	sadd.s32 $0xC0, s8  }
0x103: {  	s8 =	sand.u32 $0xFC0, s8  }
0x104: {  	[tilespmem:s8+$0x18900] =	vst v0  }
0x105: {  	v0 =	vld [tilespmem:s7+$0x80];
	_ =	sdelay $0x4  }
0x106: {  	[tilespmem:s9+$0x10] =	vst v0  }
0x107: {  	v0 =	vld [tilespmem:s7+$0x60F0];
	_ =	sdelay $0x4  }
0x108: {  	[tilespmem:s9+$0x910] =	vst v0  }
0x109: {  	v0 =	vld [tilespmem:s7+$0x100];
	_ =	sdelay $0x4  }
0x10a: {  	[tilespmem:s9+$0x20] =	vst v0  }
0x10b: {  	v0 =	vld [tilespmem:s7+$0x6170];
	_ =	sdelay $0x4  }
0x10c: {  	[tilespmem:s9+$0x920] =	vst v0  }
0x10d: {  	v0 =	vld [tilespmem:s7+$0x180];
	_ =	sdelay $0x4  }
0x10e: {  	[tilespmem:s9+$0x30] =	vst v0  }
0x10f: {  	v0 =	vld [tilespmem:s7+$0x61F0];
	_ =	sdelay $0x4  }
0x110: {  	[tilespmem:s9+$0x930] =	vst v0  }
0x111: {  	v0 =	vld [tilespmem:s7+$0x200];
	_ =	sdelay $0x4  }
0x112: {  	[tilespmem:s9+$0x40] =	vst v0  }
0x113: {  	v0 =	vld [tilespmem:s7+$0x6270];
	_ =	sdelay $0x4  }
0x114: {  	[tilespmem:s9+$0x940] =	vst v0  }
0x115: {  	v0 =	vld [tilespmem:s7+$0x280];
	_ =	sdelay $0x4  }
0x116: {  	[tilespmem:s9+$0x50] =	vst v0  }
0x117: {  	v0 =	vld [tilespmem:s7+$0x62F0];
	_ =	sdelay $0x4  }
0x118: {  	[tilespmem:s9+$0x950] =	vst v0  }
0x119: {  	v0 =	vld [tilespmem:s7+$0x300];
	_ =	sdelay $0x4  }
0x11a: {  	[tilespmem:s9+$0x60] =	vst v0  }
0x11b: {  	v0 =	vld [tilespmem:s7+$0x6370];
	_ =	sdelay $0x4  }
0x11c: {  	[tilespmem:s9+$0x960] =	vst v0  }
0x11d: {  	v0 =	vld [tilespmem:s7+$0x380];
	_ =	sdelay $0x4  }
0x11e: {  	[tilespmem:s9+$0x70] =	vst v0  }
0x11f: {  	v0 =	vld [tilespmem:s7+$0x63F0];
	_ =	sdelay $0x4  }
0x120: {  	[tilespmem:s9+$0x970] =	vst v0  }
0x121: {  	v0 =	vld [tilespmem:s7+$0x400];
	_ =	sdelay $0x4  }
0x122: {  	[tilespmem:s8+$0x18080] =	vst v0  }
0x123: {  	v0 =	vld [tilespmem:s7+$0x6470];
	_ =	sdelay $0x4  }
0x124: {  	[tilespmem:s8+$0x18980] =	vst v0  }
0x125: {  	v0 =	vld [tilespmem:s7+$0x480];
	_ =	sdelay $0x4  }
0x126: {  	[tilespmem:s9+$0x90] =	vst v0  }
0x127: {  	v0 =	vld [tilespmem:s7+$0x64F0];
	_ =	sdelay $0x4  }
0x128: {  	[tilespmem:s9+$0x990] =	vst v0  }
0x129: {  	v0 =	vld [tilespmem:s7+$0x500];
	_ =	sdelay $0x4  }
0x12a: {  	[tilespmem:s9+$0xA0] =	vst v0  }
0x12b: {  	v0 =	vld [tilespmem:s7+$0x6570];
	_ =	sdelay $0x4  }
0x12c: {  	[tilespmem:s9+$0x9A0] =	vst v0  }
0x12d: {  	v0 =	vld [tilespmem:s7+$0x580];
	_ =	sdelay $0x4  }
0x12e: {  	[tilespmem:s9+$0xB0] =	vst v0  }
0x12f: {  	v0 =	vld [tilespmem:s7+$0x65F0];
	_ =	sdelay $0x4  }
0x130: {  	s10 =	rddreg [dreg:$0x3];
	[tilespmem:s9+$0x9B0] =	vst v0  }
0x131: {  	[hbm4b:s10+s28] =	stream.strided.scatter [tilespmem:s0], [sflag:$0x2], $0x1200, s31, s28, $0x38;
	[tilespmem:$0x1A400] =	vst v63  }
0x132: {  	_ =	swait.ge [sflag:s1], $0x1200  }
0x133: {  	[sflag:s1] =	ssyncset.done $0x0  }
0x134: {  	[sflag:s1] =	ssyncadd.s32 $0xFFFFEE00  }
0x135: {  	_ =	swait.ge [sflag:s30], $0x4800  }
0x136: {  	[sflag:s30] =	ssyncset.done $0x0  }
0x137: {  	[sflag:s30] =	ssyncadd.s32 $0xFFFFB800  }
0x138: {  	_ =	swait.ge [sflag:s30], $0x4800  }
0x139: {  	[sflag:s30] =	ssyncset.done $0x0  }
0x13a: {  	s11 =	simm.s32 $0x0;
	[sflag:s30] =	ssyncadd.s32 $0xFFFFB800  }
0x13b: {  	v63 =	vld [tilespmem:s11+$0xC000];
	_ =	sdelay $0x2  }
0x13c: {  	s7 =	simm.s32 $0x0  }
0x13d: {  	s10 =	sand.u32 $0xFC0, s7  }
0x13e: {  	[tilespmem:s10+$0x19200] =	vst v63  }
0x13f: {  	v0 =	vld [tilespmem:s11+$0x12070];
	_ =	sdelay $0x4  }
0x140: {  	[tilespmem:s10+$0x19B00] =	vst v0  }
0x141: {  	v0 =	vld [tilespmem:s11+$0xC080];
	_ =	sdelay $0x3  }
0x142: {  	s8 =	simm.s32 $0x19BB0  }
0x143: {  	[tilespmem:s8+$0xFFFFF660] =	vst v0  }
0x144: {  	v0 =	vld [tilespmem:s11+$0x120F0];
	_ =	sdelay $0x4  }
0x145: {  	[tilespmem:s8+$0xFFFFFF60] =	vst v0  }
0x146: {  	v0 =	vld [tilespmem:s11+$0xC100];
	_ =	sdelay $0x4  }
0x147: {  	[tilespmem:s8+$0xFFFFF670] =	vst v0  }
0x148: {  	v0 =	vld [tilespmem:s11+$0x12170];
	_ =	sdelay $0x4  }
0x149: {  	[tilespmem:s8+$0xFFFFFF70] =	vst v0  }
0x14a: {  	v0 =	vld [tilespmem:s11+$0xC180];
	_ =	sdelay $0x4  }
0x14b: {  	[tilespmem:s8+$0xFFFFF680] =	vst v0  }
0x14c: {  	v0 =	vld [tilespmem:s11+$0x121F0];
	_ =	sdelay $0x4  }
0x14d: {  	[tilespmem:s8+$0xFFFFFF80] =	vst v0  }
0x14e: {  	v0 =	vld [tilespmem:s11+$0xC200];
	_ =	sdelay $0x4  }
0x14f: {  	[tilespmem:s8+$0xFFFFF690] =	vst v0  }
0x150: {  	v0 =	vld [tilespmem:s11+$0x12270];
	_ =	sdelay $0x4  }
0x151: {  	[tilespmem:s8+$0xFFFFFF90] =	vst v0  }
0x152: {  	v0 =	vld [tilespmem:s11+$0xC280];
	_ =	sdelay $0x4  }
0x153: {  	[tilespmem:s8+$0xFFFFF6A0] =	vst v0  }
0x154: {  	v0 =	vld [tilespmem:s11+$0x122F0];
	_ =	sdelay $0x4  }
0x155: {  	[tilespmem:s8+$0xFFFFFFA0] =	vst v0  }
0x156: {  	v0 =	vld [tilespmem:s11+$0xC300];
	_ =	sdelay $0x4  }
0x157: {  	[tilespmem:s8+$0xFFFFF6B0] =	vst v0  }
0x158: {  	v0 =	vld [tilespmem:s11+$0x12370];
	_ =	sdelay $0x4  }
0x159: {  	[tilespmem:s8+$0xFFFFFFB0] =	vst v0  }
0x15a: {  	v0 =	vld [tilespmem:s11+$0xC380];
	_ =	sdelay $0x4  }
0x15b: {  	[tilespmem:s8+$0xFFFFF6C0] =	vst v0  }
0x15c: {  	v0 =	vld [tilespmem:s11+$0x123F0];
	_ =	sdelay $0x4  }
0x15d: {  	[tilespmem:s8+$0xFFFFFFC0] =	vst v0  }
0x15e: {  	v0 =	vld [tilespmem:s11+$0xC400];
	_ =	sdelay $0x4  }
0x15f: {  	[tilespmem:s10+$0x19280] =	vst v0  }
0x160: {  	v0 =	vld [tilespmem:s11+$0x12470];
	_ =	sdelay $0x4  }
0x161: {  	[tilespmem:s10+$0x19B80] =	vst v0  }
0x162: {  	v0 =	vld [tilespmem:s11+$0xC480];
	_ =	sdelay $0x4  }
0x163: {  	[tilespmem:s8+$0xFFFFF6E0] =	vst v0  }
0x164: {  	v0 =	vld [tilespmem:s11+$0x124F0];
	_ =	sdelay $0x4  }
0x165: {  	[tilespmem:s8+$0xFFFFFFE0] =	vst v0  }
0x166: {  	v0 =	vld [tilespmem:s11+$0xC500];
	_ =	sdelay $0x4  }
0x167: {  	[tilespmem:s8+$0xFFFFF6F0] =	vst v0  }
0x168: {  	v0 =	vld [tilespmem:s11+$0x12570];
	_ =	sdelay $0x4  }
0x169: {  	[tilespmem:s8+$0xFFFFFFF0] =	vst v0  }
0x16a: {  	v0 =	vld [tilespmem:s11+$0xC580];
	_ =	sdelay $0x4  }
0x16b: {  	[tilespmem:s8+$0xFFFFF700] =	vst v0  }
0x16c: {  	v0 =	vld [tilespmem:s11+$0x125F0];
	_ =	sdelay $0x4  }
0x16d: {  	s9 =	simm.s32 $0x800;
	s10 =	simm.s32 $0x4000;
	[tilespmem:s8+$0x0] =	vst v0  }
.LBB2_4:
0x16e: {  	p0 =	sne.s32 s10, $0x16000;
	v0 =	vld [tilespmem:s9+$0xC000];
	_ =	sdelay $0x2  }
0x16f: {  	s7 =	sadd.s32 $0xC0, s7  }
0x170: {  	s11 =	sand.u32 $0xFC0, s7  }
0x171: {  	[tilespmem:s11+$0x19200] =	vst v0  }
0x172: {  	v0 =	vld [tilespmem:s9+$0x12070];
	_ =	sdelay $0x4  }
0x173: {  	[tilespmem:s11+$0x19B00] =	vst v0  }
0x174: {  	v0 =	vld [tilespmem:s9+$0xC080];
	_ =	sdelay $0x3  }
0x175: {  	s8 =	sadd.s32 $0xC0, s8  }
0x176: {  	[tilespmem:s8+$0xFFFFF660] =	vst v0  }
0x177: {  	v0 =	vld [tilespmem:s9+$0x120F0];
	_ =	sdelay $0x4  }
0x178: {  	[tilespmem:s8+$0xFFFFFF60] =	vst v0  }
0x179: {  	v0 =	vld [tilespmem:s9+$0xC100];
	_ =	sdelay $0x4  }
0x17a: {  	[tilespmem:s8+$0xFFFFF670] =	vst v0  }
0x17b: {  	v0 =	vld [tilespmem:s9+$0x12170];
	_ =	sdelay $0x4  }
0x17c: {  	[tilespmem:s8+$0xFFFFFF70] =	vst v0  }
0x17d: {  	v0 =	vld [tilespmem:s9+$0xC180];
	_ =	sdelay $0x4  }
0x17e: {  	[tilespmem:s8+$0xFFFFF680] =	vst v0  }
0x17f: {  	v0 =	vld [tilespmem:s9+$0x121F0];
	_ =	sdelay $0x4  }
0x180: {  	[tilespmem:s8+$0xFFFFFF80] =	vst v0  }
0x181: {  	v0 =	vld [tilespmem:s9+$0xC200];
	_ =	sdelay $0x4  }
0x182: {  	[tilespmem:s8+$0xFFFFF690] =	vst v0  }
0x183: {  	v0 =	vld [tilespmem:s9+$0x12270];
	_ =	sdelay $0x4  }
0x184: {  	[tilespmem:s8+$0xFFFFFF90] =	vst v0  }
0x185: {  	v0 =	vld [tilespmem:s9+$0xC280];
	_ =	sdelay $0x4  }
0x186: {  	[tilespmem:s8+$0xFFFFF6A0] =	vst v0  }
0x187: {  	v0 =	vld [tilespmem:s9+$0x122F0];
	_ =	sdelay $0x4  }
0x188: {  	[tilespmem:s8+$0xFFFFFFA0] =	vst v0  }
0x189: {  	v0 =	vld [tilespmem:s9+$0xC300];
	_ =	sdelay $0x4  }
0x18a: {  	[tilespmem:s8+$0xFFFFF6B0] =	vst v0  }
0x18b: {  	v0 =	vld [tilespmem:s9+$0x12370];
	_ =	sdelay $0x4  }
0x18c: {  	[tilespmem:s8+$0xFFFFFFB0] =	vst v0  }
0x18d: {  	v0 =	vld [tilespmem:s9+$0xC380];
	_ =	sdelay $0x4  }
0x18e: {  	[tilespmem:s8+$0xFFFFF6C0] =	vst v0  }
0x18f: {  	v0 =	vld [tilespmem:s9+$0x123F0];
	_ =	sdelay $0x4  }
0x190: {  	[tilespmem:s8+$0xFFFFFFC0] =	vst v0  }
0x191: {  	v0 =	vld [tilespmem:s9+$0xC400];
	_ =	sdelay $0x4  }
0x192: {  	[tilespmem:s11+$0x19280] =	vst v0  }
0x193: {  	v0 =	vld [tilespmem:s9+$0x12470];
	_ =	sdelay $0x4  }
0x194: {  	[tilespmem:s11+$0x19B80] =	vst v0  }
0x195: {  	v0 =	vld [tilespmem:s9+$0xC480];
	_ =	sdelay $0x4  }
0x196: {  	[tilespmem:s8+$0xFFFFF6E0] =	vst v0  }
0x197: {  	v0 =	vld [tilespmem:s9+$0x124F0];
	_ =	sdelay $0x4  }
0x198: {  	[tilespmem:s8+$0xFFFFFFE0] =	vst v0  }
0x199: {  	v0 =	vld [tilespmem:s9+$0xC500];
	_ =	sdelay $0x4  }
0x19a: {  	[tilespmem:s8+$0xFFFFF6F0] =	vst v0  }
0x19b: {  	v0 =	vld [tilespmem:s9+$0x12570];
	_ =	sdelay $0x4  }
0x19c: {  	[tilespmem:s8+$0xFFFFFFF0] =	vst v0  }
0x19d: {  	v0 =	vld [tilespmem:s9+$0xC580];
	_ =	sdelay $0x4  }
0x19e: {  	[tilespmem:s8+$0xFFFFF700] =	vst v0  }
0x19f: {  	v0 =	vld [tilespmem:s9+$0x125F0]  }
.Ltmp1:
0x1a0: {  	(pc) =	sbr.rel @p0 .LBB2_4-.Ltmp1, $2  }
0x1a1: {  	_ =	sdelay $0x2  }
0x1a2: {  	s9 =	sshra.s32 s10, $0x2;
	s10 =	sadd.s32 $0x2000, s10;
	[tilespmem:s8+$0x0] =	vst v0  }
0x1a3: {  	v0 =	vld [tilespmem:s9+$0xC000];
	_ =	sdelay $0x2  }
0x1a4: {  	s7 =	sadd.s32 $0xC0, s7  }
0x1a5: {  	s7 =	sand.u32 $0xFC0, s7  }
0x1a6: {  	[tilespmem:s7+$0x19200] =	vst v0  }
0x1a7: {  	v0 =	vld [tilespmem:s9+$0x12070];
	_ =	sdelay $0x4  }
0x1a8: {  	[tilespmem:s7+$0x19B00] =	vst v0  }
0x1a9: {  	v0 =	vld [tilespmem:s9+$0xC080];
	_ =	sdelay $0x3  }
0x1aa: {  	s8 =	sadd.s32 $0xC0, s8  }
0x1ab: {  	[tilespmem:s8+$0xFFFFF660] =	vst v0  }
0x1ac: {  	v0 =	vld [tilespmem:s9+$0x120F0];
	_ =	sdelay $0x4  }
0x1ad: {  	[tilespmem:s8+$0xFFFFFF60] =	vst v0  }
0x1ae: {  	v0 =	vld [tilespmem:s9+$0xC100];
	_ =	sdelay $0x4  }
0x1af: {  	[tilespmem:s8+$0xFFFFF670] =	vst v0  }
0x1b0: {  	v0 =	vld [tilespmem:s9+$0x12170];
	_ =	sdelay $0x4  }
0x1b1: {  	[tilespmem:s8+$0xFFFFFF70] =	vst v0  }
0x1b2: {  	v0 =	vld [tilespmem:s9+$0xC180];
	_ =	sdelay $0x4  }
0x1b3: {  	[tilespmem:s8+$0xFFFFF680] =	vst v0  }
0x1b4: {  	v0 =	vld [tilespmem:s9+$0x121F0];
	_ =	sdelay $0x4  }
0x1b5: {  	[tilespmem:s8+$0xFFFFFF80] =	vst v0  }
0x1b6: {  	v0 =	vld [tilespmem:s9+$0xC200];
	_ =	sdelay $0x4  }
0x1b7: {  	[tilespmem:s8+$0xFFFFF690] =	vst v0  }
0x1b8: {  	v0 =	vld [tilespmem:s9+$0x12270];
	_ =	sdelay $0x4  }
0x1b9: {  	[tilespmem:s8+$0xFFFFFF90] =	vst v0  }
0x1ba: {  	v0 =	vld [tilespmem:s9+$0xC280];
	_ =	sdelay $0x4  }
0x1bb: {  	[tilespmem:s8+$0xFFFFF6A0] =	vst v0  }
0x1bc: {  	v0 =	vld [tilespmem:s9+$0x122F0];
	_ =	sdelay $0x4  }
0x1bd: {  	[tilespmem:s8+$0xFFFFFFA0] =	vst v0  }
0x1be: {  	v0 =	vld [tilespmem:s9+$0xC300];
	_ =	sdelay $0x4  }
0x1bf: {  	[tilespmem:s8+$0xFFFFF6B0] =	vst v0  }
0x1c0: {  	v0 =	vld [tilespmem:s9+$0x12370];
	_ =	sdelay $0x4  }
0x1c1: {  	[tilespmem:s8+$0xFFFFFFB0] =	vst v0  }
0x1c2: {  	v0 =	vld [tilespmem:s9+$0xC380];
	_ =	sdelay $0x4  }
0x1c3: {  	[tilespmem:s8+$0xFFFFF6C0] =	vst v0  }
0x1c4: {  	v0 =	vld [tilespmem:s9+$0x123F0];
	_ =	sdelay $0x4  }
0x1c5: {  	[tilespmem:s8+$0xFFFFFFC0] =	vst v0  }
0x1c6: {  	v0 =	vld [tilespmem:s9+$0xC400];
	_ =	sdelay $0x4  }
0x1c7: {  	[tilespmem:s7+$0x19280] =	vst v0  }
0x1c8: {  	v0 =	vld [tilespmem:s9+$0x12470];
	_ =	sdelay $0x4  }
0x1c9: {  	[tilespmem:s7+$0x19B80] =	vst v0  }
0x1ca: {  	v0 =	vld [tilespmem:s9+$0xC480];
	_ =	sdelay $0x4  }
0x1cb: {  	[tilespmem:s8+$0xFFFFF6E0] =	vst v0  }
0x1cc: {  	v0 =	vld [tilespmem:s9+$0x124F0];
	_ =	sdelay $0x4  }
0x1cd: {  	[tilespmem:s8+$0xFFFFFFE0] =	vst v0  }
0x1ce: {  	v0 =	vld [tilespmem:s9+$0xC500];
	_ =	sdelay $0x4  }
0x1cf: {  	[tilespmem:s8+$0xFFFFF6F0] =	vst v0  }
0x1d0: {  	v0 =	vld [tilespmem:s9+$0x12570];
	_ =	sdelay $0x4  }
0x1d1: {  	[tilespmem:s8+$0xFFFFFFF0] =	vst v0  }
0x1d2: {  	v0 =	vld [tilespmem:s9+$0xC580];
	_ =	sdelay $0x4  }
0x1d3: {  	[tilespmem:s8+$0xFFFFF700] =	vst v0  }
0x1d4: {  	v0 =	vld [tilespmem:s9+$0x125F0];
	_ =	sdelay $0x4  }
0x1d5: {  	s10 =	simm.s32 $0x19200;
	s9 =	rddreg [dreg:$0x4];
	[tilespmem:s8+$0x0] =	vst v0  }
0x1d6: {  	[hbm4b:s9+s28] =	stream.strided.scatter [tilespmem:s10], [sflag:$0x2], $0x1200, s31, s28, $0x38;
	[tilespmem:$0x1A400] =	vst v63  }
0x1d7: {  	_ =	swait.ge [sflag:s1], $0x1200  }
0x1d8: {  	s2 =	sadd.s32 $0x1, s2;
	s11 =	rddreg [dreg:$0x5]  }
0x1d9: {  	p0 =	sne.s32 s2, s11  }
.Ltmp2:
0x1da: {  	_ = 	snop;
	(pc) =	sbr.rel @p0 .LBB2_1-.Ltmp2, $3  }
0x1db: {  	_ =	sdelay $0x1  }
0x1dc: {  	[sflag:s1] =	ssyncset.done $0x0  }
0x1dd: {  	[sflag:s1] =	ssyncadd.s32 $0xFFFFEE00  }
0x1de: {  	_ =	sfence.sel $0x180000  }
0x1df: {  	[bflag:$0x0] =	sbarrier.arrive $0xFFFF  }
0x1e0: {  	_ =	strace $0x90000047  }
0x1e1: {  	s0 =	stileid.u32;
	[bflag:$0x2] =	sbarrier.arrive $0xFFFF  }
0x1e2: {  	p0 =	sne.s32 s0, $0x0;
	s0 =	rddreg [dreg:$0x2]  }
0x1e3: {  	s0 =	sadd.s32 @!p0 $0x100000, s0  }
0x1e4: {  	[sflag:s0] =	ssyncadd.tile.s32 @!p0 $0x1;
	_ =	shalt  }
.Lfunc_end2:
_tile_overlayer_lowered:
.L_overlay_start_2:
0x1e5: {  	(tag) =	ssettag $0x2  }
0x1e6: {  	s0 =	rddreg [dreg:$0x0];
	s2 =	stileid.u32  }
0x1e7: {  	s1 =	rddreg [dreg:$0x1];
	p0 =	sne.s32 s2, $0x0  }
0x1e8: {  	s3 =	rddreg [dreg:$0x2];
	[bflag:$0x3] =	sbarrier.arrive $0xFFFF;
	s2 =	simm.s32 @!p0 $0x1C02  }
0x1e9: {  	[timem:s3], [sflag:s2] =	dma.local @!p0 [hbm:s0], s1  }
0x1ea: {  	s0 =	simm.s32 @!p0 $0x2  }
0x1eb: {  	_ =	swait.ge @!p0 [sflag:s0], s1  }
0x1ec: {  	s1 =	ssub.s32 @!p0 $0x0, s1;
	[sflag:s0] =	ssyncset.done @!p0 $0x0  }
0x1ed: {  	[sflag:s0] =	ssyncadd.s32 @!p0 s1  }
0x1ee: {  	[bflag:$0x3] =	sbarrier.arrive $0xFFFF  }
0x1ef: {  	_ =	shalt  }

</sc_bundles>
